<compile_context>
chip_gen: v7x
topology: tpu7x:2x2x1
jax: 0.10.2.dev20260603
libtpu: 0.0.44.dev20260713+nightly
codegen_flags: <defaults>
</compile_context>

<pallas_src>
import functools

import jax
import jax.numpy as jnp
from jax import lax
from jax.experimental import pallas as pl
from jax.experimental.pallas import tpu as pltpu
from jax.experimental.pallas import tpu_sc as plsc

_NPOINT = 512
_NSAMPLE = 32


def _fps_body(xyz_ref, new_ref):
    x = xyz_ref[:, 0, :]
    y = xyz_ref[:, 1, :]
    z = xyz_ref[:, 2, :]
    B, N = x.shape
    S = new_ref.shape[2]
    iota = jax.lax.broadcasted_iota(jnp.int32, (B, N), 1)
    iota_s = jax.lax.broadcasted_iota(jnp.int32, (B, S), 1)

    def step(t, carry):
        dist, far, ax, ay, az = carry
        oh = iota == far
        cx = jnp.sum(jnp.where(oh, x, 0.0), axis=1, keepdims=True)
        cy = jnp.sum(jnp.where(oh, y, 0.0), axis=1, keepdims=True)
        cz = jnp.sum(jnp.where(oh, z, 0.0), axis=1, keepdims=True)
        sl = iota_s == t
        ax = jnp.where(sl, cx, ax)
        ay = jnp.where(sl, cy, ay)
        az = jnp.where(sl, cz, az)
        dx = x - cx
        dy = y - cy
        dz = z - cz
        d = (dx * dx + dz * dz) + dy * dy
        dist = jnp.minimum(dist, d)
        m = jnp.max(dist, axis=1, keepdims=True)
        far = jnp.min(jnp.where(dist == m, iota, N), axis=1, keepdims=True)
        return dist, far, ax, ay, az

    zs = jnp.zeros((B, S), jnp.float32)
    init = (jnp.full((B, N), 1e10, jnp.float32), jnp.zeros((B, 1), jnp.int32),
            zs, zs, zs)
    _, _, ax, ay, az = jax.lax.fori_loop(0, _NPOINT, step, init)
    new_ref[:, 0:1, :] = ax[:, None, :]
    new_ref[:, 1:2, :] = ay[:, None, :]
    new_ref[:, 2:3, :] = az[:, None, :]


def _knn_body(nxyz_ref, xyz_ref, idx_ref, d_ref):
    a = nxyz_ref[0]
    p = xyz_ref[0]
    TS = a.shape[1]
    N = p.shape[1]
    b = pl.program_id(0)
    at = jnp.transpose(a)
    asq = jnp.sum(at * at, axis=1, keepdims=True)
    psq = jnp.sum(p * p, axis=0, keepdims=True)
    m3 = jax.lax.dot_general(
        at, p, (((1,), (0,)), ((), ())), preferred_element_type=jnp.float32)
    d_ref[...] = (-2.0 * m3 + asq) + psq
    iota = jax.lax.broadcasted_iota(jnp.int32, (TS, N), 1)
    K = idx_ref.shape[2]
    iota_k = jax.lax.broadcasted_iota(jnp.int32, (TS, K), 1)

    def step(k, acc):
        d = d_ref[...]
        m = jnp.min(d, axis=1, keepdims=True)
        sel = jnp.min(jnp.where(d == m, iota, N), axis=1, keepdims=True)
        acc = jnp.where(iota_k == k, sel, acc)
        d_ref[...] = jnp.where(iota == sel, jnp.float32(jnp.inf), d)
        return acc

    acc = jax.lax.fori_loop(0, _NSAMPLE, step, jnp.zeros((TS, K), jnp.int32))
    idx_ref[0] = acc + b * N


def _conv1_body(x_ref, nf_ref, w_ref, b_ref, y_ref, st_ref):
    i = pl.program_id(0)
    x = x_ref[...]
    nf = nf_ref[...]
    MT = x.shape[0]
    SR = nf.shape[0]
    w3 = w_ref[0:3, :]
    t1 = jax.lax.dot_general(
        nf, w3, (((1,), (0,)), ((), ())), preferred_element_type=jnp.float32)
    t1r = jnp.broadcast_to(t1[:, None, :], (SR, MT // SR, t1.shape[1]))
    t1r = t1r.reshape(MT, t1.shape[1])
    y = jax.lax.dot_general(
        x, w_ref[...], (((1,), (0,)), ((), ())),
        preferred_element_type=jnp.float32)
    y = (y - t1r) + b_ref[...]
    y_ref[...] = y

    @pl.when(i == 0)
    def _():
        st_ref[...] = jnp.zeros_like(st_ref)

    st_ref[0:1, :] += jnp.sum(y, axis=0, keepdims=True)
    st_ref[1:2, :] += jnp.sum(y * y, axis=0, keepdims=True)


def _make_bn_conv_body(m_total):
    inv_m = 1.0 / m_total

    def body(y_ref, st_in_ref, g_ref, be_ref, w_ref, b_ref, y2_ref, st_ref):
        i = pl.program_id(0)
        y = y_ref[...]
        st = st_in_ref[...]
        mean = st[0:1, :] * inv_m
        var = st[1:2, :] * inv_m - mean * mean
        yn = (y - mean) / jnp.sqrt(var + 1e-5)
        yn = yn * g_ref[...] + be_ref[...]
        xr = jnp.maximum(yn, 0.0)
        y2 = jax.lax.dot_general(
            xr, w_ref[...], (((1,), (0,)), ((), ())),
            preferred_element_type=jnp.float32) + b_ref[...]
        y2_ref[...] = y2

        @pl.when(i == 0)
        def _():
            st_ref[...] = jnp.zeros_like(st_ref)

        st_ref[0:1, :] += jnp.sum(y2, axis=0, keepdims=True)
        st_ref[1:2, :] += jnp.sum(y2 * y2, axis=0, keepdims=True)

    return body


def _make_bn_relu_body(m_total):
    inv_m = 1.0 / m_total

    def body(y_ref, st_in_ref, g_ref, be_ref, out_ref):
        y = y_ref[...]
        st = st_in_ref[...]
        mean = st[0:1, :] * inv_m
        var = st[1:2, :] * inv_m - mean * mean
        yn = (y - mean) / jnp.sqrt(var + 1e-5)
        yn = yn * g_ref[...] + be_ref[...]
        out_ref[...] = jnp.maximum(yn, 0.0)

    return body


def kernel(xyz, points, W0, b0, g0, be0, W1, b1, g1, be1, W2, b2, g2, be2):
    B, _, N = xyz.shape
    D = points.shape[1]
    S, K = _NPOINT, _NSAMPLE
    TS = 512
    M = B * S * K
    TBL_W = 128

    new_xyz = pl.pallas_call(
        _fps_body,
        out_shape=jax.ShapeDtypeStruct((B, 3, S), jnp.float32),
    )(xyz)

    idx = pl.pallas_call(
        _knn_body,
        grid=(B, S // TS),
        in_specs=[
            pl.BlockSpec((1, 3, TS), lambda b, s: (b, 0, s)),
            pl.BlockSpec((1, 3, N), lambda b, s: (b, 0, 0)),
        ],
        out_specs=pl.BlockSpec((1, TS, K), lambda b, s: (b, s, 0)),
        out_shape=jax.ShapeDtypeStruct((B, S, K), jnp.int32),
        scratch_shapes=[pltpu.VMEM((TS, N), jnp.float32)],
    )(new_xyz, xyz)

    xyz_rows = jnp.transpose(xyz, (0, 2, 1)).reshape(B * N, 3)
    pts_rows = jnp.transpose(points, (0, 2, 1)).reshape(B * N, D)
    tbl = jnp.concatenate(
        [xyz_rows, pts_rows,
         jnp.zeros((B * N, TBL_W - 3 - D), jnp.float32)], axis=1)
    idx2d = idx.reshape(M // 128, 128)

    NW = 32
    rows_per_w = M // NW
    idx_rows_per_w = rows_per_w // 128
    mesh = plsc.VectorSubcoreMesh(core_axis_name="c", subcore_axis_name="s")

    @functools.partial(
        pl.kernel, mesh=mesh,
        out_type=jax.ShapeDtypeStruct((M, TBL_W), jnp.float32),
        scratch_types=[
            pltpu.VMEM((idx_rows_per_w, 128), jnp.int32),
            pltpu.VMEM((128, TBL_W), jnp.float32),
            pltpu.SemaphoreType.DMA,
        ],
    )
    def _gather_sc(tbl_hbm, idx_hbm, out_hbm, idx_v, rows_v, sem):
        wid = lax.axis_index("s") * 2 + lax.axis_index("c")
        pltpu.sync_copy(
            idx_hbm.at[pl.ds(wid * idx_rows_per_w, idx_rows_per_w)], idx_v)

        def body(j, _):
            pltpu.async_copy(tbl_hbm.at[idx_v.at[j]], rows_v, sem).wait()
            pltpu.sync_copy(
                rows_v, out_hbm.at[pl.ds(wid * rows_per_w + j * 128, 128)])
            return 0

        lax.fori_loop(0, idx_rows_per_w, body, 0)

    x0 = _gather_sc(tbl, idx2d)

    new_flat = jnp.transpose(new_xyz, (0, 2, 1)).reshape(B * S, 3)
    w0p = jnp.concatenate(
        [jnp.transpose(W0), jnp.zeros((TBL_W - 3 - D, W0.shape[0]),
                                      jnp.float32)], axis=0)
    MT = 4096
    grid1 = (M // MT,)
    C1 = W0.shape[0]
    y0, st0 = pl.pallas_call(
        _conv1_body,
        grid=grid1,
        in_specs=[
            pl.BlockSpec((MT, TBL_W), lambda i: (i, 0)),
            pl.BlockSpec((MT // K, 3), lambda i: (i, 0)),
            pl.BlockSpec((TBL_W, C1), lambda i: (0, 0)),
            pl.BlockSpec((1, C1), lambda i: (0, 0)),
        ],
        out_specs=[
            pl.BlockSpec((MT, C1), lambda i: (i, 0)),
            pl.BlockSpec((2, C1), lambda i: (0, 0)),
        ],
        out_shape=[
            jax.ShapeDtypeStruct((M, C1), jnp.float32),
            jax.ShapeDtypeStruct((2, C1), jnp.float32),
        ],
    )(x0, new_flat, w0p, b0[None, :])

    def bn_conv(y, st, g, be, wT, b, c_out):
        c_in = y.shape[1]
        return pl.pallas_call(
            _make_bn_conv_body(float(M)),
            grid=grid1,
            in_specs=[
                pl.BlockSpec((MT, c_in), lambda i: (i, 0)),
                pl.BlockSpec((2, c_in), lambda i: (0, 0)),
                pl.BlockSpec((1, c_in), lambda i: (0, 0)),
                pl.BlockSpec((1, c_in), lambda i: (0, 0)),
                pl.BlockSpec((c_in, c_out), lambda i: (0, 0)),
                pl.BlockSpec((1, c_out), lambda i: (0, 0)),
            ],
            out_specs=[
                pl.BlockSpec((MT, c_out), lambda i: (i, 0)),
                pl.BlockSpec((2, c_out), lambda i: (0, 0)),
            ],
            out_shape=[
                jax.ShapeDtypeStruct((M, c_out), jnp.float32),
                jax.ShapeDtypeStruct((2, c_out), jnp.float32),
            ],
        )(y, st, g[None, :], be[None, :], wT, b[None, :])

    y1, st1 = bn_conv(y0, st0, g0, be0, jnp.transpose(W1), b1, W1.shape[0])
    y2, st2 = bn_conv(y1, st1, g1, be1, jnp.transpose(W2), b2, W2.shape[0])

    C3 = W2.shape[0]
    out_flat = pl.pallas_call(
        _make_bn_relu_body(float(M)),
        grid=grid1,
        in_specs=[
            pl.BlockSpec((MT, C3), lambda i: (i, 0)),
            pl.BlockSpec((2, C3), lambda i: (0, 0)),
            pl.BlockSpec((1, C3), lambda i: (0, 0)),
            pl.BlockSpec((1, C3), lambda i: (0, 0)),
        ],
        out_specs=pl.BlockSpec((MT, C3), lambda i: (i, 0)),
        out_shape=jax.ShapeDtypeStruct((M, C3), jnp.float32),
    )(y2, st2, g2[None, :], be2[None, :])

    feats = jnp.transpose(out_flat.reshape(B, S, K, C3), (0, 3, 2, 1))
    return (new_xyz, feats)

# --- scband reference (transcript-rebuilt; emitter-appended) ---
"""Pipeline reference for scband-point-net-set-abstraction-12713103196705 (READ-ONLY COPY).

The authoritative reference and input builder live on the scoring server;
editing this copy changes nothing except your own understanding.
"""

import jax, jax.numpy as jnp
import numpy as np

NPOINT = 512
NSAMPLE = 32


def square_distance(src, dst):
    dist = -2.0 * jnp.matmul(src, jnp.transpose(dst, (0, 2, 1)))
    dist = dist + jnp.sum(src ** 2, -1)[:, :, None]
    dist = dist + jnp.sum(dst ** 2, -1)[:, None, :]
    return dist


def farthest_point_sample(xyz, npoint):
    # deterministic start index 0 (torch version uses randint)
    xyz = jax.lax.stop_gradient(xyz)
    B, N, _ = xyz.shape

    def step(carry, _):
        distance, farthest = carry
        centroid = jnp.take_along_axis(xyz, farthest[:, None, None], axis=1)
        dist = jnp.sum((xyz - centroid) ** 2, -1)
        distance = jnp.minimum(distance, dist)
        new_far = jnp.argmax(distance, axis=-1).astype(jnp.int32)
        return (distance, new_far), farthest

    init = (jnp.full((B, N), 1e10, dtype=xyz.dtype), jnp.zeros((B,), dtype=jnp.int32))
    _, cent = jax.lax.scan(step, init, None, length=npoint)
    return jnp.transpose(cent, (1, 0))  # [B, npoint]


def index_points(points, idx):
    # points [B,N,C], idx [B,S] -> [B,S,C]
    return jnp.take_along_axis(points, idx[:, :, None], axis=1)


def group_points(points, idx):
    # points [B,N,C], idx [B,S,K] -> [B,S,K,C]
    B, S, K = idx.shape
    N, C = points.shape[1], points.shape[2]
    idx_e = jnp.broadcast_to(idx[:, :, :, None], (B, S, K, C))
    pts_e = jnp.broadcast_to(points[:, None, :, :], (B, S, N, C))
    return jnp.take_along_axis(pts_e, idx_e, axis=2)


def conv_bn_relu(x, W, b, g, be):
    # x [B,C,K,S]; 1x1 Conv2d + BatchNorm2d (training-mode batch stats) + ReLU
    y = jnp.einsum('bcks,oc->boks', x, W) + b[None, :, None, None]
    mean = jnp.mean(y, axis=(0, 2, 3), keepdims=True)
    var = jnp.mean((y - mean) ** 2, axis=(0, 2, 3), keepdims=True)
    y = (y - mean) / jnp.sqrt(var + 1e-5)
    y = y * g[None, :, None, None] + be[None, :, None, None]
    return jax.nn.relu(y)


def setup_inputs(seed: int = 0) -> dict:
    key = jax.random.key(seed)
    ks = jax.random.split(key, 8)
    B, N, D = 8, 4096, 64
    xyz = jax.random.normal(ks[0], (B, 3, N), dtype=jnp.float32)
    points = jax.random.normal(ks[1], (B, D, N), dtype=jnp.float32)
    inp = {"xyz": xyz, "points": points}
    last = 3 + D
    for i, out in enumerate([64, 64, 128]):
        inp[f"W{i}"] = jax.random.normal(ks[2 + i], (out, last), dtype=jnp.float32) * (1.0 / np.sqrt(last))
        inp[f"b{i}"] = jnp.zeros((out,), jnp.float32)
        inp[f"g{i}"] = jnp.ones((out,), jnp.float32)
        inp[f"be{i}"] = jnp.zeros((out,), jnp.float32)
        last = out
    return inp


def reference(xyz, points, W0, b0, g0, be0, W1, b1, g1, be1, W2, b2, g2, be2):
    xyz_t = jnp.transpose(xyz, (0, 2, 1))      # [B,N,3]
    pts_t = jnp.transpose(points, (0, 2, 1))   # [B,N,D]
    fps_idx = farthest_point_sample(xyz_t, NPOINT)
    new_xyz = index_points(xyz_t, fps_idx)     # [B,S,3]
    sqrdists = square_distance(new_xyz, xyz_t)
    idx = jnp.argsort(sqrdists, axis=-1)[:, :, :NSAMPLE]  # knn_query
    grouped_xyz = group_points(xyz_t, idx)                 # [B,S,K,3]
    grouped_xyz_norm = grouped_xyz - new_xyz[:, :, None, :]
    grouped_points = group_points(pts_t, idx)              # [B,S,K,D]
    new_points = jnp.concatenate([grouped_xyz_norm, grouped_points], axis=-1)
    new_points = jnp.transpose(new_points, (0, 3, 2, 1))   # [B,C,K,S]
    new_points = conv_bn_relu(new_points, W0, b0, g0, be0)
    new_points = conv_bn_relu(new_points, W1, b1, g1, be1)
    new_points = conv_bn_relu(new_points, W2, b2, g2, be2)
    new_xyz_out = jnp.transpose(new_xyz, (0, 2, 1))        # [B,3,S]
    return (new_xyz_out, new_points)

if __name__ == "__main__":
    import jax
    _d = setup_inputs()
    print(jax.jit(kernel)(*tuple(_d.values())))

</pallas_src>

<mosaic_0001>
#map = affine_map<(d0, d1) -> (0, 0)>
module attributes {stable_mosaic.version = 14 : i64} {
  func.func @_gather_sc(%arg0: i32, %arg1: i32, %arg2: memref<32768x128xf32, #tpu.memory_space<hbm>>, %arg3: memref<1024x128xi32, #tpu.memory_space<hbm>>, %arg4: memref<131072x128xf32, #tpu.memory_space<hbm>>, %arg5: memref<32x128xi32, #tpu.memory_space<vmem>>, %arg6: memref<128x128xf32, #tpu.memory_space<vmem>>, %arg7: memref<!tpu.dma_semaphore, #tpu.memory_space<semaphore_mem>>) attributes {dimension_semantics = [#tpu.dimension_semantics<core_parallel>, #tpu.dimension_semantics<subcore_parallel>], iteration_bounds = array<i64: 2, 16>, scalar_prefetch = 0 : i64, scratch_operands = 3 : i64, tpu.core_type = #tpu.core_type<sc_vector_subcore>, window_params = [{transform_indices = #map}, {transform_indices = #map}, {transform_indices = #map}]} {
    %mul3A = arith.constant 2 : i32
    %mul3A_0 = arith.muli %arg1, %mul3A : i32
    %add3A = arith.addi %mul3A_0, %arg0 : i32
    %mul3A_1 = arith.constant 32 : i32
    %mul3A_2 = arith.muli %add3A, %mul3A_1 : i32
    "tpu.region"() ({
      %run_scoped3A = tpu.sem_alloc : memref<!tpu.dma_semaphore, #tpu.memory_space<semaphore_mem>>
      %dma_start3A = arith.constant 0 : i32
      %dma_start3A_9 = tpu.memref_slice %arg3[%mul3A_2, %dma_start3A] : memref<1024x128xi32, #tpu.memory_space<hbm>> -> memref<32x128xi32, #tpu.memory_space<hbm>>
      %dma_start3A_10 = arith.constant 0 : i32
      %dma_start3A_11 = tpu.memref_slice %arg3[%mul3A_2, %dma_start3A_10] : memref<1024x128xi32, #tpu.memory_space<hbm>> -> memref<32x128xi32, #tpu.memory_space<hbm>>
      tpu.enqueue_dma source(%dma_start3A_11 : memref<32x128xi32, #tpu.memory_space<hbm>>) target(%arg5 : memref<32x128xi32, #tpu.memory_space<vmem>>) target_semaphore(%run_scoped3A : memref<!tpu.dma_semaphore, #tpu.memory_space<semaphore_mem>>)
      %dma_wait3A = arith.constant 0 : i32
      %dma_wait3A_12 = tpu.memref_slice %arg3[%mul3A_2, %dma_wait3A] : memref<1024x128xi32, #tpu.memory_space<hbm>> -> memref<32x128xi32, #tpu.memory_space<hbm>>
      %dma_wait3A_13 = arith.constant 0 : i32
      %dma_wait3A_14 = tpu.memref_slice %arg3[%mul3A_2, %dma_wait3A_13] : memref<1024x128xi32, #tpu.memory_space<hbm>> -> memref<32x128xi32, #tpu.memory_space<hbm>>
      tpu.wait_dma2 semaphore(%run_scoped3A : memref<!tpu.dma_semaphore, #tpu.memory_space<semaphore_mem>>) src(%dma_wait3A_14 : memref<32x128xi32, #tpu.memory_space<hbm>>) dst(%arg5 : memref<32x128xi32, #tpu.memory_space<vmem>>)
      tpu.yield
    }) : () -> ()
    %scan3A = arith.constant 0 : i32
    %scan3A_3 = arith.constant 0 : i32
    %scan3A_4 = arith.constant 32 : i32
    %scan3A_5 = arith.addi %scan3A_3, %scan3A_4 : i32
    %scan3A_6 = arith.constant 1 : i32
    %scan3A_7 = scf.for %scan3A_9 = %scan3A_3 to %scan3A_5 step %scan3A_6 iter_args(%scan3A_10 = %scan3A) -> (i32)  : i32 {
      %dma_start3A = arith.constant 0 : i32
      %dma_start3A_11 = tpu.memref_slice %arg5[%scan3A_9, %dma_start3A] : memref<32x128xi32, #tpu.memory_space<vmem>> -> memref<1x128xi32, #tpu.memory_space<vmem>>
      %dma_start3A_12 = tpu.memref_squeeze %dma_start3A_11 : memref<1x128xi32, #tpu.memory_space<vmem>> -> memref<128xi32, #tpu.memory_space<vmem>>
      %dma_start3A_13 = arith.constant 0 : i32
      %dma_start3A_14 = arith.constant 0 : i32
      %dma_start3A_15 = tpu.memref_slice %arg2[%dma_start3A_13, %dma_start3A_14] : memref<32768x128xf32, #tpu.memory_space<hbm>> -> memref<32768x128xf32, #tpu.memory_space<hbm>>
      tpu.enqueue_indirect_dma source(%dma_start3A_15 : memref<32768x128xf32, #tpu.memory_space<hbm>>) target(%arg6 : memref<128x128xf32, #tpu.memory_space<vmem>>) offsets(%dma_start3A_12 : memref<128xi32, #tpu.memory_space<vmem>>) semaphore(%arg7 : memref<!tpu.dma_semaphore, #tpu.memory_space<semaphore_mem>>)
      %dma_wait3A = arith.constant 0 : i32
      %dma_wait3A_16 = tpu.memref_slice %arg5[%scan3A_9, %dma_wait3A] : memref<32x128xi32, #tpu.memory_space<vmem>> -> memref<1x128xi32, #tpu.memory_space<vmem>>
      %dma_wait3A_17 = tpu.memref_squeeze %dma_wait3A_16 : memref<1x128xi32, #tpu.memory_space<vmem>> -> memref<128xi32, #tpu.memory_space<vmem>>
      %dma_wait3A_18 = arith.constant 0 : i32
      %dma_wait3A_19 = arith.constant 0 : i32
      %dma_wait3A_20 = tpu.memref_slice %arg2[%dma_wait3A_18, %dma_wait3A_19] : memref<32768x128xf32, #tpu.memory_space<hbm>> -> memref<32768x128xf32, #tpu.memory_space<hbm>>
      tpu.wait_indirect_dma semaphore(%arg7 : memref<!tpu.dma_semaphore, #tpu.memory_space<semaphore_mem>>) src(%dma_wait3A_20 : memref<32768x128xf32, #tpu.memory_space<hbm>>) dst(%arg6 : memref<128x128xf32, #tpu.memory_space<vmem>>)
      %mul3A_21 = arith.constant 4096 : i32
      %mul3A_22 = arith.muli %add3A, %mul3A_21 : i32
      %mul3A_23 = arith.constant 128 : i32
      %mul3A_24 = arith.muli %scan3A_9, %mul3A_23 : i32
      %add3A_25 = arith.addi %mul3A_22, %mul3A_24 : i32
      "tpu.region"() ({
        %run_scoped3A = tpu.sem_alloc : memref<!tpu.dma_semaphore, #tpu.memory_space<semaphore_mem>>
        %dma_start3A_27 = arith.constant 0 : i32
        %dma_start3A_28 = tpu.memref_slice %arg4[%add3A_25, %dma_start3A_27] : memref<131072x128xf32, #tpu.memory_space<hbm>> -> memref<128x128xf32, #tpu.memory_space<hbm>>
        %dma_start3A_29 = arith.constant 0 : i32
        %dma_start3A_30 = tpu.memref_slice %arg4[%add3A_25, %dma_start3A_29] : memref<131072x128xf32, #tpu.memory_space<hbm>> -> memref<128x128xf32, #tpu.memory_space<hbm>>
        tpu.enqueue_dma source(%arg6 : memref<128x128xf32, #tpu.memory_space<vmem>>) target(%dma_start3A_30 : memref<128x128xf32, #tpu.memory_space<hbm>>) target_semaphore(%run_scoped3A : memref<!tpu.dma_semaphore, #tpu.memory_space<semaphore_mem>>)
        %dma_wait3A_31 = arith.constant 0 : i32
        %dma_wait3A_32 = tpu.memref_slice %arg4[%add3A_25, %dma_wait3A_31] : memref<131072x128xf32, #tpu.memory_space<hbm>> -> memref<128x128xf32, #tpu.memory_space<hbm>>
        %dma_wait3A_33 = arith.constant 0 : i32
        %dma_wait3A_34 = tpu.memref_slice %arg4[%add3A_25, %dma_wait3A_33] : memref<131072x128xf32, #tpu.memory_space<hbm>> -> memref<128x128xf32, #tpu.memory_space<hbm>>
        tpu.wait_dma2 semaphore(%run_scoped3A : memref<!tpu.dma_semaphore, #tpu.memory_space<semaphore_mem>>) src(%arg6 : memref<128x128xf32, #tpu.memory_space<vmem>>) dst(%dma_wait3A_34 : memref<128x128xf32, #tpu.memory_space<hbm>>)
        tpu.yield
      }) : () -> ()
      %scan3A_26 = arith.constant 0 : i32
      scf.yield %scan3A_26 : i32
    }
    %scan3A_8 = arith.constant 32 : i32
    return
  }
}

module attributes {stable_mosaic.version = 14 : i64} {
  func.func @_fps_body(%arg0: memref<8x3x4096xf32, #tpu.memory_space<vmem>>, %arg1: memref<8x3x512xf32, #tpu.memory_space<vmem>>) attributes {dimension_semantics = [], scalar_prefetch = 0 : i64, scratch_operands = 0 : i64, tpu.core_type = #tpu.core_type<tc>} {
    %get3A = arith.constant 0 : index
    %get3A_0 = arith.constant 0 : index
    %get3A_1 = arith.constant 0 : index
    %get3A_2 = vector.load %arg0[%get3A, %get3A_0, %get3A_1] : memref<8x3x4096xf32, #tpu.memory_space<vmem>>, vector<8x1x4096xf32>
    %get3A_3 = vector.shape_cast %get3A_2 : vector<8x1x4096xf32> to vector<8x4096xf32>
    %get3A_4 = arith.constant 0 : index
    %get3A_5 = arith.constant 1 : index
    %get3A_6 = arith.constant 0 : index
    %get3A_7 = vector.load %arg0[%get3A_4, %get3A_5, %get3A_6] : memref<8x3x4096xf32, #tpu.memory_space<vmem>>, vector<8x1x4096xf32>
    %get3A_8 = vector.shape_cast %get3A_7 : vector<8x1x4096xf32> to vector<8x4096xf32>
    %get3A_9 = arith.constant 0 : index
    %get3A_10 = arith.constant 2 : index
    %get3A_11 = arith.constant 0 : index
    %get3A_12 = vector.load %arg0[%get3A_9, %get3A_10, %get3A_11] : memref<8x3x4096xf32, #tpu.memory_space<vmem>>, vector<8x1x4096xf32>
    %get3A_13 = vector.shape_cast %get3A_12 : vector<8x1x4096xf32> to vector<8x4096xf32>
    %iota3A = tpu.iota {dimensions = array<i32: 1>} : vector<8x4096xi32>
    %iota3A_14 = tpu.iota {dimensions = array<i32: 1>} : vector<8x512xi32>
    %broadcast_in_dim3A = arith.constant 0.000000e+00 : f32
    %broadcast_in_dim3A_15 = vector.broadcast %broadcast_in_dim3A : f32 to vector<8x512xf32>
    %broadcast_in_dim3A_16 = arith.constant 1.000000e+10 : f32
    %broadcast_in_dim3A_17 = vector.broadcast %broadcast_in_dim3A_16 : f32 to vector<8x4096xf32>
    %broadcast_in_dim3A_18 = arith.constant 0 : i32
    %broadcast_in_dim3A_19 = vector.broadcast %broadcast_in_dim3A_18 : i32 to vector<8x1xi32>
    %scan3A = arith.constant 0 : i32
    %scan3A_20 = arith.constant 512 : i32
    %scan3A_21 = arith.addi %scan3A, %scan3A_20 : i32
    %scan3A_22 = arith.constant 1 : i32
    %scan3A_23:5 = scf.for %scan3A_39 = %scan3A to %scan3A_21 step %scan3A_22 iter_args(%scan3A_40 = %broadcast_in_dim3A_17, %scan3A_41 = %broadcast_in_dim3A_19, %scan3A_42 = %broadcast_in_dim3A_15, %scan3A_43 = %broadcast_in_dim3A_15, %scan3A_44 = %broadcast_in_dim3A_15) -> (vector<8x4096xf32>, vector<8x1xi32>, vector<8x512xf32>, vector<8x512xf32>, vector<8x512xf32>)  : i32 {
      %eq3A = vector.broadcast %scan3A_41 : vector<8x1xi32> to vector<8x4096xi32>
      %eq3A_45 = arith.cmpi eq, %iota3A, %eq3A : vector<8x4096xi32>
      %jit3A = arith.constant 0.000000e+00 : f32
      %broadcast_in_dim3A_46 = vector.broadcast %jit3A : f32 to vector<8x4096xf32>
      %select_n3A = arith.select %eq3A_45, %get3A_3, %broadcast_in_dim3A_46 : vector<8x4096xi1>, vector<8x4096xf32>
      %reduce_sum3A = arith.constant dense<0.000000e+00> : vector<8xf32>
      %reduce_sum3A_47 = vector.multi_reduction <add>, %select_n3A, %reduce_sum3A [1] : vector<8x4096xf32> to vector<8xf32>
      %broadcast_in_dim3A_48 = vector.shape_cast %reduce_sum3A_47 : vector<8xf32> to vector<8x1xf32>
      %jit3A_49 = arith.constant 0.000000e+00 : f32
      %broadcast_in_dim3A_50 = vector.broadcast %jit3A_49 : f32 to vector<8x4096xf32>
      %select_n3A_51 = arith.select %eq3A_45, %get3A_8, %broadcast_in_dim3A_50 : vector<8x4096xi1>, vector<8x4096xf32>
      %reduce_sum3A_52 = arith.constant dense<0.000000e+00> : vector<8xf32>
      %reduce_sum3A_53 = vector.multi_reduction <add>, %select_n3A_51, %reduce_sum3A_52 [1] : vector<8x4096xf32> to vector<8xf32>
      %broadcast_in_dim3A_54 = vector.shape_cast %reduce_sum3A_53 : vector<8xf32> to vector<8x1xf32>
      %jit3A_55 = arith.constant 0.000000e+00 : f32
      %broadcast_in_dim3A_56 = vector.broadcast %jit3A_55 : f32 to vector<8x4096xf32>
      %select_n3A_57 = arith.select %eq3A_45, %get3A_13, %broadcast_in_dim3A_56 : vector<8x4096xi1>, vector<8x4096xf32>
      %reduce_sum3A_58 = arith.constant dense<0.000000e+00> : vector<8xf32>
      %reduce_sum3A_59 = vector.multi_reduction <add>, %select_n3A_57, %reduce_sum3A_58 [1] : vector<8x4096xf32> to vector<8xf32>
      %broadcast_in_dim3A_60 = vector.shape_cast %reduce_sum3A_59 : vector<8xf32> to vector<8x1xf32>
      %eq3A_61 = vector.broadcast %scan3A_39 : i32 to vector<8x512xi32>
      %eq3A_62 = arith.cmpi eq, %iota3A_14, %eq3A_61 : vector<8x512xi32>
      %broadcast_in_dim3A_63 = vector.shape_cast %broadcast_in_dim3A_48 : vector<8x1xf32> to vector<8x1xf32>
      %broadcast_in_dim3A_64 = vector.broadcast %broadcast_in_dim3A_63 : vector<8x1xf32> to vector<8x512xf32>
      %select_n3A_65 = arith.select %eq3A_62, %broadcast_in_dim3A_64, %scan3A_42 : vector<8x512xi1>, vector<8x512xf32>
      %broadcast_in_dim3A_66 = vector.shape_cast %broadcast_in_dim3A_54 : vector<8x1xf32> to vector<8x1xf32>
      %broadcast_in_dim3A_67 = vector.broadcast %broadcast_in_dim3A_66 : vector<8x1xf32> to vector<8x512xf32>
      %select_n3A_68 = arith.select %eq3A_62, %broadcast_in_dim3A_67, %scan3A_43 : vector<8x512xi1>, vector<8x512xf32>
      %broadcast_in_dim3A_69 = vector.shape_cast %broadcast_in_dim3A_60 : vector<8x1xf32> to vector<8x1xf32>
      %broadcast_in_dim3A_70 = vector.broadcast %broadcast_in_dim3A_69 : vector<8x1xf32> to vector<8x512xf32>
      %select_n3A_71 = arith.select %eq3A_62, %broadcast_in_dim3A_70, %scan3A_44 : vector<8x512xi1>, vector<8x512xf32>
      %sub3A = vector.broadcast %broadcast_in_dim3A_48 : vector<8x1xf32> to vector<8x4096xf32>
      %sub3A_72 = arith.subf %get3A_3, %sub3A : vector<8x4096xf32>
      %sub3A_73 = vector.broadcast %broadcast_in_dim3A_54 : vector<8x1xf32> to vector<8x4096xf32>
      %sub3A_74 = arith.subf %get3A_8, %sub3A_73 : vector<8x4096xf32>
      %sub3A_75 = vector.broadcast %broadcast_in_dim3A_60 : vector<8x1xf32> to vector<8x4096xf32>
      %sub3A_76 = arith.subf %get3A_13, %sub3A_75 : vector<8x4096xf32>
      %mul3A = arith.mulf %sub3A_72, %sub3A_72 : vector<8x4096xf32>
      %mul3A_77 = arith.mulf %sub3A_76, %sub3A_76 : vector<8x4096xf32>
      %add3A = arith.addf %mul3A, %mul3A_77 : vector<8x4096xf32>
      %mul3A_78 = arith.mulf %sub3A_74, %sub3A_74 : vector<8x4096xf32>
      %add3A_79 = arith.addf %add3A, %mul3A_78 : vector<8x4096xf32>
      %min3A = arith.minimumf %scan3A_40, %add3A_79 : vector<8x4096xf32>
      %reduce_max3A = arith.constant dense<0xFF800000> : vector<8xf32>
      %reduce_max3A_80 = vector.multi_reduction <maximumf>, %min3A, %reduce_max3A [1] : vector<8x4096xf32> to vector<8xf32>
      %broadcast_in_dim3A_81 = vector.shape_cast %reduce_max3A_80 : vector<8xf32> to vector<8x1xf32>
      %eq3A_82 = vector.broadcast %broadcast_in_dim3A_81 : vector<8x1xf32> to vector<8x4096xf32>
      %eq3A_83 = arith.cmpf oeq, %min3A, %eq3A_82 : vector<8x4096xf32>
      %jit3A_84 = arith.constant 4096 : i32
      %broadcast_in_dim3A_85 = vector.broadcast %jit3A_84 : i32 to vector<8x4096xi32>
      %select_n3A_86 = arith.select %eq3A_83, %iota3A, %broadcast_in_dim3A_85 : vector<8x4096xi1>, vector<8x4096xi32>
      %reduce_min3A = arith.constant dense<2147483647> : vector<8xi32>
      %reduce_min3A_87 = vector.multi_reduction <minsi>, %select_n3A_86, %reduce_min3A [1] : vector<8x4096xi32> to vector<8xi32>
      %broadcast_in_dim3A_88 = vector.shape_cast %reduce_min3A_87 : vector<8xi32> to vector<8x1xi32>
      scf.yield %min3A, %broadcast_in_dim3A_88, %select_n3A_65, %select_n3A_68, %select_n3A_71 : vector<8x4096xf32>, vector<8x1xi32>, vector<8x512xf32>, vector<8x512xf32>, vector<8x512xf32>
    }
    %scan3A_24 = arith.constant 512 : i32
    %broadcast_in_dim3A_25 = vector.shape_cast %scan3A_23#2 : vector<8x512xf32> to vector<8x1x512xf32>
    %swap3A = arith.constant 0 : index
    %swap3A_26 = arith.constant 0 : index
    %swap3A_27 = arith.constant 0 : index
    %swap3A_28 = vector.load %arg1[%swap3A, %swap3A_26, %swap3A_27] : memref<8x3x512xf32, #tpu.memory_space<vmem>>, vector<8x1x512xf32>
    tpu.vector_store %arg1[%swap3A, %swap3A_26, %swap3A_27], %broadcast_in_dim3A_25 {strides = array<i32>} : memref<8x3x512xf32, #tpu.memory_space<vmem>>, vector<8x1x512xf32>,
    %broadcast_in_dim3A_29 = vector.shape_cast %scan3A_23#3 : vector<8x512xf32> to vector<8x1x512xf32>
    %swap3A_30 = arith.constant 0 : index
    %swap3A_31 = arith.constant 1 : index
    %swap3A_32 = arith.constant 0 : index
    %swap3A_33 = vector.load %arg1[%swap3A_30, %swap3A_31, %swap3A_32] : memref<8x3x512xf32, #tpu.memory_space<vmem>>, vector<8x1x512xf32>
    tpu.vector_store %arg1[%swap3A_30, %swap3A_31, %swap3A_32], %broadcast_in_dim3A_29 {strides = array<i32>} : memref<8x3x512xf32, #tpu.memory_space<vmem>>, vector<8x1x512xf32>,
    %broadcast_in_dim3A_34 = vector.shape_cast %scan3A_23#4 : vector<8x512xf32> to vector<8x1x512xf32>
    %swap3A_35 = arith.constant 0 : index
    %swap3A_36 = arith.constant 2 : index
    %swap3A_37 = arith.constant 0 : index
    %swap3A_38 = vector.load %arg1[%swap3A_35, %swap3A_36, %swap3A_37] : memref<8x3x512xf32, #tpu.memory_space<vmem>>, vector<8x1x512xf32>
    tpu.vector_store %arg1[%swap3A_35, %swap3A_36, %swap3A_37], %broadcast_in_dim3A_34 {strides = array<i32>} : memref<8x3x512xf32, #tpu.memory_space<vmem>>, vector<8x1x512xf32>,
    return
  }
}

module attributes {stable_mosaic.version = 14 : i64} {
  func.func @_knn_body(%arg0: i32, %arg1: i32, %arg2: memref<1x3x512xf32, #tpu.memory_space<vmem>>, %arg3: memref<1x3x4096xf32, #tpu.memory_space<vmem>>, %arg4: memref<1x512x32xi32, #tpu.memory_space<vmem>>, %arg5: memref<512x4096xf32, #tpu.memory_space<vmem>>) attributes {dimension_semantics = [#tpu.dimension_semantics<arbitrary>, #tpu.dimension_semantics<arbitrary>], iteration_bounds = array<i64: 8, 1>, scalar_prefetch = 0 : i64, scratch_operands = 1 : i64, tpu.core_type = #tpu.core_type<tc>, window_params = [{transform_indices = @transform_0, window_bounds = array<i64: 1, 3, 512>}, {transform_indices = @transform_1, window_bounds = array<i64: 1, 3, 4096>}, {transform_indices = @transform_2, window_bounds = array<i64: 1, 512, 32>}]} {
    %get3A = arith.constant 0 : index
    %get3A_0 = arith.constant 0 : index
    %get3A_1 = arith.constant 0 : index
    %get3A_2 = vector.load %arg2[%get3A, %get3A_0, %get3A_1] : memref<1x3x512xf32, #tpu.memory_space<vmem>>, vector<1x3x512xf32>
    %get3A_3 = vector.shape_cast %get3A_2 : vector<1x3x512xf32> to vector<3x512xf32>
    %get3A_4 = arith.constant 0 : index
    %get3A_5 = arith.constant 0 : index
    %get3A_6 = arith.constant 0 : index
    %get3A_7 = vector.load %arg3[%get3A_4, %get3A_5, %get3A_6] : memref<1x3x4096xf32, #tpu.memory_space<vmem>>, vector<1x3x4096xf32>
    %get3A_8 = vector.shape_cast %get3A_7 : vector<1x3x4096xf32> to vector<3x4096xf32>
    %transpose3A = tpu.transpose %get3A_3, [1, 0] : vector<3x512xf32> -> vector<512x3xf32>
    %mul3A = arith.mulf %transpose3A, %transpose3A : vector<512x3xf32>
    %reduce_sum3A = arith.constant dense<0.000000e+00> : vector<512xf32>
    %reduce_sum3A_9 = vector.multi_reduction <add>, %mul3A, %reduce_sum3A [1] : vector<512x3xf32> to vector<512xf32>
    %broadcast_in_dim3A = vector.shape_cast %reduce_sum3A_9 : vector<512xf32> to vector<512x1xf32>
    %mul3A_10 = arith.mulf %get3A_8, %get3A_8 : vector<3x4096xf32>
    %reduce_sum3A_11 = arith.constant dense<0.000000e+00> : vector<4096xf32>
    %reduce_sum3A_12 = vector.multi_reduction <add>, %mul3A_10, %reduce_sum3A_11 [0] : vector<3x4096xf32> to vector<4096xf32>
    %broadcast_in_dim3A_13 = vector.shape_cast %reduce_sum3A_12 : vector<4096xf32> to vector<1x4096xf32>
    %dot_general3A = arith.constant dense<0.000000e+00> : vector<512x4096xf32>
    %dot_general3A_14 = tpu.matmul %transpose3A, %get3A_8, %dot_general3A {dimension_numbers = #tpu.dot_dimension_numbers<[1], [0], [0], [1], [0, 0, 1, 1], [], []>, transpose_lhs_hint = false} : vector<512x3xf32>, vector<3x4096xf32>, vector<512x4096xf32> -> vector<512x4096xf32>
    %mul3A_15 = arith.constant -2.000000e+00 : f32
    %mul3A_16 = vector.broadcast %mul3A_15 : f32 to vector<512x4096xf32>
    %mul3A_17 = arith.mulf %mul3A_16, %dot_general3A_14 : vector<512x4096xf32>
    %add3A = vector.broadcast %broadcast_in_dim3A : vector<512x1xf32> to vector<512x4096xf32>
    %add3A_18 = arith.addf %mul3A_17, %add3A : vector<512x4096xf32>
    %add3A_19 = vector.broadcast %broadcast_in_dim3A_13 : vector<1x4096xf32> to vector<512x4096xf32>
    %add3A_20 = arith.addf %add3A_18, %add3A_19 : vector<512x4096xf32>
    %swap3A = arith.constant 0 : index
    %swap3A_21 = arith.constant 0 : index
    %swap3A_22 = vector.load %arg5[%swap3A, %swap3A_21] : memref<512x4096xf32, #tpu.memory_space<vmem>>, vector<512x4096xf32>
    tpu.vector_store %arg5[%swap3A, %swap3A_21], %add3A_20 {strides = array<i32>} : memref<512x4096xf32, #tpu.memory_space<vmem>>, vector<512x4096xf32>,
    %iota3A = tpu.iota {dimensions = array<i32: 1>} : vector<512x4096xi32>
    %iota3A_23 = tpu.iota {dimensions = array<i32: 1>} : vector<512x32xi32>
    %broadcast_in_dim3A_24 = arith.constant 0 : i32
    %broadcast_in_dim3A_25 = vector.broadcast %broadcast_in_dim3A_24 : i32 to vector<512x32xi32>
    %scan3A = arith.constant 0 : i32
    %scan3A_26 = arith.constant 32 : i32
    %scan3A_27 = arith.addi %scan3A, %scan3A_26 : i32
    %scan3A_28 = arith.constant 1 : i32
    %scan3A_29 = scf.for %scan3A_41 = %scan3A to %scan3A_27 step %scan3A_28 iter_args(%scan3A_42 = %broadcast_in_dim3A_25) -> (vector<512x32xi32>)  : i32 {
      %get3A_43 = arith.constant 0 : index
      %get3A_44 = arith.constant 0 : index
      %get3A_45 = vector.load %arg5[%get3A_43, %get3A_44] : memref<512x4096xf32, #tpu.memory_space<vmem>>, vector<512x4096xf32>
      %reduce_min3A = arith.constant dense<0x7F800000> : vector<512xf32>
      %reduce_min3A_46 = vector.multi_reduction <minimumf>, %get3A_45, %reduce_min3A [1] : vector<512x4096xf32> to vector<512xf32>
      %broadcast_in_dim3A_47 = vector.shape_cast %reduce_min3A_46 : vector<512xf32> to vector<512x1xf32>
      %eq3A = vector.broadcast %broadcast_in_dim3A_47 : vector<512x1xf32> to vector<512x4096xf32>
      %eq3A_48 = arith.cmpf oeq, %get3A_45, %eq3A : vector<512x4096xf32>
      %jit3A = arith.constant 4096 : i32
      %broadcast_in_dim3A_49 = vector.broadcast %jit3A : i32 to vector<512x4096xi32>
      %select_n3A = arith.select %eq3A_48, %iota3A, %broadcast_in_dim3A_49 : vector<512x4096xi1>, vector<512x4096xi32>
      %reduce_min3A_50 = arith.constant dense<2147483647> : vector<512xi32>
      %reduce_min3A_51 = vector.multi_reduction <minsi>, %select_n3A, %reduce_min3A_50 [1] : vector<512x4096xi32> to vector<512xi32>
      %broadcast_in_dim3A_52 = vector.shape_cast %reduce_min3A_51 : vector<512xi32> to vector<512x1xi32>
      %eq3A_53 = vector.broadcast %scan3A_41 : i32 to vector<512x32xi32>
      %eq3A_54 = arith.cmpi eq, %iota3A_23, %eq3A_53 : vector<512x32xi32>
      %broadcast_in_dim3A_55 = vector.shape_cast %broadcast_in_dim3A_52 : vector<512x1xi32> to vector<512x1xi32>
      %broadcast_in_dim3A_56 = vector.broadcast %broadcast_in_dim3A_55 : vector<512x1xi32> to vector<512x32xi32>
      %select_n3A_57 = arith.select %eq3A_54, %broadcast_in_dim3A_56, %scan3A_42 : vector<512x32xi1>, vector<512x32xi32>
      %eq3A_58 = vector.broadcast %broadcast_in_dim3A_52 : vector<512x1xi32> to vector<512x4096xi32>
      %eq3A_59 = arith.cmpi eq, %iota3A, %eq3A_58 : vector<512x4096xi32>
      %jit3A_60 = arith.constant 0x7F800000 : f32
      %broadcast_in_dim3A_61 = vector.broadcast %jit3A_60 : f32 to vector<512x4096xf32>
      %select_n3A_62 = arith.select %eq3A_59, %broadcast_in_dim3A_61, %get3A_45 : vector<512x4096xi1>, vector<512x4096xf32>
      %swap3A_63 = arith.constant 0 : index
      %swap3A_64 = arith.constant 0 : index
      %swap3A_65 = vector.load %arg5[%swap3A_63, %swap3A_64] : memref<512x4096xf32, #tpu.memory_space<vmem>>, vector<512x4096xf32>
      tpu.vector_store %arg5[%swap3A_63, %swap3A_64], %select_n3A_62 {strides = array<i32>} : memref<512x4096xf32, #tpu.memory_space<vmem>>, vector<512x4096xf32>,
      scf.yield %select_n3A_57 : vector<512x32xi32>
    }
    %scan3A_30 = arith.constant 32 : i32
    %mul3A_31 = arith.constant 4096 : i32
    %mul3A_32 = arith.muli %arg0, %mul3A_31 : i32
    %add3A_33 = vector.broadcast %mul3A_32 : i32 to vector<512x32xi32>
    %add3A_34 = arith.addi %scan3A_29, %add3A_33 : vector<512x32xi32>
    %swap3A_35 = arith.constant 0 : index
    %swap3A_36 = arith.constant 0 : index
    %swap3A_37 = arith.constant 0 : index
    %swap3A_38 = vector.load %arg4[%swap3A_35, %swap3A_36, %swap3A_37] : memref<1x512x32xi32, #tpu.memory_space<vmem>>, vector<1x512x32xi32>
    %swap3A_39 = vector.shape_cast %swap3A_38 : vector<1x512x32xi32> to vector<512x32xi32>
    %swap3A_40 = vector.shape_cast %add3A_34 : vector<512x32xi32> to vector<1x512x32xi32>
    tpu.vector_store %arg4[%swap3A_35, %swap3A_36, %swap3A_37], %swap3A_40 {strides = array<i32>} : memref<1x512x32xi32, #tpu.memory_space<vmem>>, vector<1x512x32xi32>,
    return
  }
  func.func @transform_0(%arg0: i32, %arg1: i32) -> (i32, i32, i32) {
    %c0_i32 = arith.constant 0 : i32
    %c0_i32_0 = arith.constant 0 : i32
    return %arg0, %c0_i32, %arg1 : i32, i32, i32
  }
  func.func @transform_1(%arg0: i32, %arg1: i32) -> (i32, i32, i32) {
    %c0_i32 = arith.constant 0 : i32
    %c0_i32_0 = arith.constant 0 : i32
    %c0_i32_1 = arith.constant 0 : i32
    return %arg0, %c0_i32, %c0_i32_0 : i32, i32, i32
  }
  func.func @transform_2(%arg0: i32, %arg1: i32) -> (i32, i32, i32) {
    %c0_i32 = arith.constant 0 : i32
    %c0_i32_0 = arith.constant 0 : i32
    return %arg0, %arg1, %c0_i32 : i32, i32, i32
  }
}

module attributes {stable_mosaic.version = 14 : i64} {
  func.func @_conv1_body(%arg0: i32, %arg1: memref<4096x128xf32, #tpu.memory_space<vmem>>, %arg2: memref<128x3xf32, #tpu.memory_space<vmem>>, %arg3: memref<128x64xf32, #tpu.memory_space<vmem>>, %arg4: memref<1x64xf32, #tpu.memory_space<vmem>>, %arg5: memref<4096x64xf32, #tpu.memory_space<vmem>>, %arg6: memref<2x64xf32, #tpu.memory_space<vmem>>) attributes {dimension_semantics = [#tpu.dimension_semantics<arbitrary>], iteration_bounds = array<i64: 32>, scalar_prefetch = 0 : i64, scratch_operands = 0 : i64, tpu.core_type = #tpu.core_type<tc>, window_params = [{transform_indices = @transform_0, window_bounds = array<i64: 4096, 128>}, {transform_indices = @transform_1, window_bounds = array<i64: 128, 3>}, {pipeline_mode = #tpu.pipeline_mode<synchronous>, transform_indices = @transform_2, window_bounds = array<i64: 128, 64>}, {pipeline_mode = #tpu.pipeline_mode<synchronous>, transform_indices = @transform_3, window_bounds = array<i64: 1, 64>}, {transform_indices = @transform_4, window_bounds = array<i64: 4096, 64>}, {pipeline_mode = #tpu.pipeline_mode<synchronous>, transform_indices = @transform_5, window_bounds = array<i64: 2, 64>}]} {
    %get3A = arith.constant 0 : index
    %get3A_0 = arith.constant 0 : index
    %get3A_1 = vector.load %arg1[%get3A, %get3A_0] : memref<4096x128xf32, #tpu.memory_space<vmem>>, vector<4096x128xf32>
    %get3A_2 = arith.constant 0 : index
    %get3A_3 = arith.constant 0 : index
    %get3A_4 = vector.load %arg2[%get3A_2, %get3A_3] : memref<128x3xf32, #tpu.memory_space<vmem>>, vector<128x3xf32>
    %get3A_5 = arith.constant 0 : index
    %get3A_6 = arith.constant 0 : index
    %get3A_7 = vector.load %arg3[%get3A_5, %get3A_6] : memref<128x64xf32, #tpu.memory_space<vmem>>, vector<3x64xf32>
    %dot_general3A = arith.constant dense<0.000000e+00> : vector<128x64xf32>
    %dot_general3A_8 = tpu.matmul %get3A_4, %get3A_7, %dot_general3A {dimension_numbers = #tpu.dot_dimension_numbers<[1], [0], [0], [1], [0, 0, 1, 1], [], []>, transpose_lhs_hint = false} : vector<128x3xf32>, vector<3x64xf32>, vector<128x64xf32> -> vector<128x64xf32>
    %broadcast_in_dim3A = vector.shape_cast %dot_general3A_8 : vector<128x64xf32> to vector<128x1x64xf32>
    %broadcast_in_dim3A_9 = vector.shape_cast %broadcast_in_dim3A : vector<128x1x64xf32> to vector<128x1x64xf32>
    %broadcast_in_dim3A_10 = vector.broadcast %broadcast_in_dim3A_9 : vector<128x1x64xf32> to vector<128x32x64xf32>
    %reshape3A = vector.shape_cast %broadcast_in_dim3A_10 : vector<128x32x64xf32> to vector<4096x64xf32>
    %get3A_11 = arith.constant 0 : index
    %get3A_12 = arith.constant 0 : index
    %get3A_13 = vector.load %arg3[%get3A_11, %get3A_12] : memref<128x64xf32, #tpu.memory_space<vmem>>, vector<128x64xf32>
    %dot_general3A_14 = arith.constant dense<0.000000e+00> : vector<4096x64xf32>
    %dot_general3A_15 = tpu.matmul %get3A_1, %get3A_13, %dot_general3A_14 {dimension_numbers = #tpu.dot_dimension_numbers<[1], [0], [0], [1], [0, 0, 1, 1], [], []>, transpose_lhs_hint = false} : vector<4096x128xf32>, vector<128x64xf32>, vector<4096x64xf32> -> vector<4096x64xf32>
    %sub3A = arith.subf %dot_general3A_15, %reshape3A : vector<4096x64xf32>
    %get3A_16 = arith.constant 0 : index
    %get3A_17 = arith.constant 0 : index
    %get3A_18 = vector.load %arg4[%get3A_16, %get3A_17] : memref<1x64xf32, #tpu.memory_space<vmem>>, vector<1x64xf32>
    %add3A = vector.broadcast %get3A_18 : vector<1x64xf32> to vector<4096x64xf32>
    %add3A_19 = arith.addf %sub3A, %add3A : vector<4096x64xf32>
    %swap3A = arith.constant 0 : index
    %swap3A_20 = arith.constant 0 : index
    %swap3A_21 = vector.load %arg5[%swap3A, %swap3A_20] : memref<4096x64xf32, #tpu.memory_space<vmem>>, vector<4096x64xf32>
    tpu.vector_store %arg5[%swap3A, %swap3A_20], %add3A_19 {strides = array<i32>} : memref<4096x64xf32, #tpu.memory_space<vmem>>, vector<4096x64xf32>,
    %eq3A = arith.constant 0 : i32
    %eq3A_22 = arith.cmpi eq, %arg0, %eq3A : i32
    %convert_element_type3A = arith.extui %eq3A_22 : i1 to i32
    %cond3A = arith.constant 0 : i32
    %cond3A_23 = arith.cmpi ne, %convert_element_type3A, %cond3A : i32
    scf.if %cond3A_23 {
      %broadcast_in_dim3A_43 = arith.constant 0.000000e+00 : f32
      %broadcast_in_dim3A_44 = vector.broadcast %broadcast_in_dim3A_43 : f32 to vector<2x64xf32>
      %swap3A_45 = arith.constant 0 : index
      %swap3A_46 = arith.constant 0 : index
      %swap3A_47 = vector.load %arg6[%swap3A_45, %swap3A_46] : memref<2x64xf32, #tpu.memory_space<vmem>>, vector<2x64xf32>
      tpu.vector_store %arg6[%swap3A_45, %swap3A_46], %broadcast_in_dim3A_44 {strides = array<i32>} : memref<2x64xf32, #tpu.memory_space<vmem>>, vector<2x64xf32>,
    } else {
    }
    %get3A_24 = arith.constant 0 : index
    %get3A_25 = arith.constant 0 : index
    %get3A_26 = vector.load %arg6[%get3A_24, %get3A_25] : memref<2x64xf32, #tpu.memory_space<vmem>>, vector<1x64xf32>
    %reduce_sum3A = arith.constant dense<0.000000e+00> : vector<64xf32>
    %reduce_sum3A_27 = vector.multi_reduction <add>, %add3A_19, %reduce_sum3A [0] : vector<4096x64xf32> to vector<64xf32>
    %broadcast_in_dim3A_28 = vector.shape_cast %reduce_sum3A_27 : vector<64xf32> to vector<1x64xf32>
    %add3A_29 = arith.addf %get3A_26, %broadcast_in_dim3A_28 : vector<1x64xf32>
    %swap3A_30 = arith.constant 0 : index
    %swap3A_31 = arith.constant 0 : index
    %swap3A_32 = vector.load %arg6[%swap3A_30, %swap3A_31] : memref<2x64xf32, #tpu.memory_space<vmem>>, vector<1x64xf32>
    tpu.vector_store %arg6[%swap3A_30, %swap3A_31], %add3A_29 {strides = array<i32>} : memref<2x64xf32, #tpu.memory_space<vmem>>, vector<1x64xf32>,
    %get3A_33 = arith.constant 1 : index
    %get3A_34 = arith.constant 0 : index
    %get3A_35 = vector.load %arg6[%get3A_33, %get3A_34] : memref<2x64xf32, #tpu.memory_space<vmem>>, vector<1x64xf32>
    %mul3A = arith.mulf %add3A_19, %add3A_19 : vector<4096x64xf32>
    %reduce_sum3A_36 = arith.constant dense<0.000000e+00> : vector<64xf32>
    %reduce_sum3A_37 = vector.multi_reduction <add>, %mul3A, %reduce_sum3A_36 [0] : vector<4096x64xf32> to vector<64xf32>
    %broadcast_in_dim3A_38 = vector.shape_cast %reduce_sum3A_37 : vector<64xf32> to vector<1x64xf32>
    %add3A_39 = arith.addf %get3A_35, %broadcast_in_dim3A_38 : vector<1x64xf32>
    %swap3A_40 = arith.constant 1 : index
    %swap3A_41 = arith.constant 0 : index
    %swap3A_42 = vector.load %arg6[%swap3A_40, %swap3A_41] : memref<2x64xf32, #tpu.memory_space<vmem>>, vector<1x64xf32>
    tpu.vector_store %arg6[%swap3A_40, %swap3A_41], %add3A_39 {strides = array<i32>} : memref<2x64xf32, #tpu.memory_space<vmem>>, vector<1x64xf32>,
    return
  }
  func.func @transform_0(%arg0: i32) -> (i32, i32) {
    %c0_i32 = arith.constant 0 : i32
    %c0_i32_0 = arith.constant 0 : i32
    return %arg0, %c0_i32 : i32, i32
  }
  func.func @transform_1(%arg0: i32) -> (i32, i32) {
    %c0_i32 = arith.constant 0 : i32
    %c0_i32_0 = arith.constant 0 : i32
    return %arg0, %c0_i32 : i32, i32
  }
  func.func @transform_2(%arg0: i32) -> (i32, i32) {
    %c0_i32 = arith.constant 0 : i32
    %c0_i32_0 = arith.constant 0 : i32
    %c0_i32_1 = arith.constant 0 : i32
    return %c0_i32, %c0_i32_0 : i32, i32
  }
  func.func @transform_3(%arg0: i32) -> (i32, i32) {
    %c0_i32 = arith.constant 0 : i32
    %c0_i32_0 = arith.constant 0 : i32
    %c0_i32_1 = arith.constant 0 : i32
    return %c0_i32, %c0_i32_0 : i32, i32
  }
  func.func @transform_4(%arg0: i32) -> (i32, i32) {
    %c0_i32 = arith.constant 0 : i32
    %c0_i32_0 = arith.constant 0 : i32
    return %arg0, %c0_i32 : i32, i32
  }
  func.func @transform_5(%arg0: i32) -> (i32, i32) {
    %c0_i32 = arith.constant 0 : i32
    %c0_i32_0 = arith.constant 0 : i32
    %c0_i32_1 = arith.constant 0 : i32
    return %c0_i32, %c0_i32_0 : i32, i32
  }
}

module attributes {stable_mosaic.version = 14 : i64} {
  func.func @body(%arg0: i32, %arg1: memref<4096x64xf32, #tpu.memory_space<vmem>>, %arg2: memref<2x64xf32, #tpu.memory_space<vmem>>, %arg3: memref<1x64xf32, #tpu.memory_space<vmem>>, %arg4: memref<1x64xf32, #tpu.memory_space<vmem>>, %arg5: memref<64x64xf32, #tpu.memory_space<vmem>>, %arg6: memref<1x64xf32, #tpu.memory_space<vmem>>, %arg7: memref<4096x64xf32, #tpu.memory_space<vmem>>, %arg8: memref<2x64xf32, #tpu.memory_space<vmem>>) attributes {dimension_semantics = [#tpu.dimension_semantics<arbitrary>], iteration_bounds = array<i64: 32>, scalar_prefetch = 0 : i64, scratch_operands = 0 : i64, tpu.core_type = #tpu.core_type<tc>, window_params = [{transform_indices = @transform_0, window_bounds = array<i64: 4096, 64>}, {pipeline_mode = #tpu.pipeline_mode<synchronous>, transform_indices = @transform_1, window_bounds = array<i64: 2, 64>}, {pipeline_mode = #tpu.pipeline_mode<synchronous>, transform_indices = @transform_2, window_bounds = array<i64: 1, 64>}, {pipeline_mode = #tpu.pipeline_mode<synchronous>, transform_indices = @transform_3, window_bounds = array<i64: 1, 64>}, {pipeline_mode = #tpu.pipeline_mode<synchronous>, transform_indices = @transform_4, window_bounds = array<i64: 64, 64>}, {pipeline_mode = #tpu.pipeline_mode<synchronous>, transform_indices = @transform_5, window_bounds = array<i64: 1, 64>}, {transform_indices = @transform_6, window_bounds = array<i64: 4096, 64>}, {pipeline_mode = #tpu.pipeline_mode<synchronous>, transform_indices = @transform_7, window_bounds = array<i64: 2, 64>}]} {
    %get3A = arith.constant 0 : index
    %get3A_0 = arith.constant 0 : index
    %get3A_1 = vector.load %arg1[%get3A, %get3A_0] : memref<4096x64xf32, #tpu.memory_space<vmem>>, vector<4096x64xf32>
    %get3A_2 = arith.constant 0 : index
    %get3A_3 = arith.constant 0 : index
    %get3A_4 = vector.load %arg2[%get3A_2, %get3A_3] : memref<2x64xf32, #tpu.memory_space<vmem>>, vector<2x64xf32>
    %slice3A = vector.extract_strided_slice %get3A_4 {offsets = [0, 0], sizes = [1, 64], strides = [1, 1]} : vector<2x64xf32> to vector<1x64xf32>
    %mul3A = arith.constant 7.62939453E-6 : f32
    %mul3A_5 = vector.broadcast %mul3A : f32 to vector<1x64xf32>
    %mul3A_6 = arith.mulf %slice3A, %mul3A_5 : vector<1x64xf32>
    %slice3A_7 = vector.extract_strided_slice %get3A_4 {offsets = [1, 0], sizes = [1, 64], strides = [1, 1]} : vector<2x64xf32> to vector<1x64xf32>
    %mul3A_8 = arith.constant 7.62939453E-6 : f32
    %mul3A_9 = vector.broadcast %mul3A_8 : f32 to vector<1x64xf32>
    %mul3A_10 = arith.mulf %slice3A_7, %mul3A_9 : vector<1x64xf32>
    %mul3A_11 = arith.mulf %mul3A_6, %mul3A_6 : vector<1x64xf32>
    %sub3A = arith.subf %mul3A_10, %mul3A_11 : vector<1x64xf32>
    %sub3A_12 = vector.broadcast %mul3A_6 : vector<1x64xf32> to vector<4096x64xf32>
    %sub3A_13 = arith.subf %get3A_1, %sub3A_12 : vector<4096x64xf32>
    %add3A = arith.constant 9.99999974E-6 : f32
    %add3A_14 = vector.broadcast %add3A : f32 to vector<1x64xf32>
    %add3A_15 = arith.addf %sub3A, %add3A_14 : vector<1x64xf32>
    %sqrt3A = math.sqrt %add3A_15 : vector<1x64xf32>
    %div3A = vector.broadcast %sqrt3A : vector<1x64xf32> to vector<4096x64xf32>
    %div3A_16 = arith.divf %sub3A_13, %div3A : vector<4096x64xf32>
    %get3A_17 = arith.constant 0 : index
    %get3A_18 = arith.constant 0 : index
    %get3A_19 = vector.load %arg3[%get3A_17, %get3A_18] : memref<1x64xf32, #tpu.memory_space<vmem>>, vector<1x64xf32>
    %mul3A_20 = vector.broadcast %get3A_19 : vector<1x64xf32> to vector<4096x64xf32>
    %mul3A_21 = arith.mulf %div3A_16, %mul3A_20 : vector<4096x64xf32>
    %get3A_22 = arith.constant 0 : index
    %get3A_23 = arith.constant 0 : index
    %get3A_24 = vector.load %arg4[%get3A_22, %get3A_23] : memref<1x64xf32, #tpu.memory_space<vmem>>, vector<1x64xf32>
    %add3A_25 = vector.broadcast %get3A_24 : vector<1x64xf32> to vector<4096x64xf32>
    %add3A_26 = arith.addf %mul3A_21, %add3A_25 : vector<4096x64xf32>
    %max3A = arith.constant 0.000000e+00 : f32
    %max3A_27 = vector.broadcast %max3A : f32 to vector<4096x64xf32>
    %max3A_28 = arith.maximumf %add3A_26, %max3A_27 : vector<4096x64xf32>
    %get3A_29 = arith.constant 0 : index
    %get3A_30 = arith.constant 0 : index
    %get3A_31 = vector.load %arg5[%get3A_29, %get3A_30] : memref<64x64xf32, #tpu.memory_space<vmem>>, vector<64x64xf32>
    %dot_general3A = arith.constant dense<0.000000e+00> : vector<4096x64xf32>
    %dot_general3A_32 = tpu.matmul %max3A_28, %get3A_31, %dot_general3A {dimension_numbers = #tpu.dot_dimension_numbers<[1], [0], [0], [1], [0, 0, 1, 1], [], []>, transpose_lhs_hint = false} : vector<4096x64xf32>, vector<64x64xf32>, vector<4096x64xf32> -> vector<4096x64xf32>
    %get3A_33 = arith.constant 0 : index
    %get3A_34 = arith.constant 0 : index
    %get3A_35 = vector.load %arg6[%get3A_33, %get3A_34] : memref<1x64xf32, #tpu.memory_space<vmem>>, vector<1x64xf32>
    %add3A_36 = vector.broadcast %get3A_35 : vector<1x64xf32> to vector<4096x64xf32>
    %add3A_37 = arith.addf %dot_general3A_32, %add3A_36 : vector<4096x64xf32>
    %swap3A = arith.constant 0 : index
    %swap3A_38 = arith.constant 0 : index
    %swap3A_39 = vector.load %arg7[%swap3A, %swap3A_38] : memref<4096x64xf32, #tpu.memory_space<vmem>>, vector<4096x64xf32>
    tpu.vector_store %arg7[%swap3A, %swap3A_38], %add3A_37 {strides = array<i32>} : memref<4096x64xf32, #tpu.memory_space<vmem>>, vector<4096x64xf32>,
    %eq3A = arith.constant 0 : i32
    %eq3A_40 = arith.cmpi eq, %arg0, %eq3A : i32
    %convert_element_type3A = arith.extui %eq3A_40 : i1 to i32
    %cond3A = arith.constant 0 : i32
    %cond3A_41 = arith.cmpi ne, %convert_element_type3A, %cond3A : i32
    scf.if %cond3A_41 {
      %broadcast_in_dim3A_61 = arith.constant 0.000000e+00 : f32
      %broadcast_in_dim3A_62 = vector.broadcast %broadcast_in_dim3A_61 : f32 to vector<2x64xf32>
      %swap3A_63 = arith.constant 0 : index
      %swap3A_64 = arith.constant 0 : index
      %swap3A_65 = vector.load %arg8[%swap3A_63, %swap3A_64] : memref<2x64xf32, #tpu.memory_space<vmem>>, vector<2x64xf32>
      tpu.vector_store %arg8[%swap3A_63, %swap3A_64], %broadcast_in_dim3A_62 {strides = array<i32>} : memref<2x64xf32, #tpu.memory_space<vmem>>, vector<2x64xf32>,
    } else {
    }
    %get3A_42 = arith.constant 0 : index
    %get3A_43 = arith.constant 0 : index
    %get3A_44 = vector.load %arg8[%get3A_42, %get3A_43] : memref<2x64xf32, #tpu.memory_space<vmem>>, vector<1x64xf32>
    %reduce_sum3A = arith.constant dense<0.000000e+00> : vector<64xf32>
    %reduce_sum3A_45 = vector.multi_reduction <add>, %add3A_37, %reduce_sum3A [0] : vector<4096x64xf32> to vector<64xf32>
    %broadcast_in_dim3A = vector.shape_cast %reduce_sum3A_45 : vector<64xf32> to vector<1x64xf32>
    %add3A_46 = arith.addf %get3A_44, %broadcast_in_dim3A : vector<1x64xf32>
    %swap3A_47 = arith.constant 0 : index
    %swap3A_48 = arith.constant 0 : index
    %swap3A_49 = vector.load %arg8[%swap3A_47, %swap3A_48] : memref<2x64xf32, #tpu.memory_space<vmem>>, vector<1x64xf32>
    tpu.vector_store %arg8[%swap3A_47, %swap3A_48], %add3A_46 {strides = array<i32>} : memref<2x64xf32, #tpu.memory_space<vmem>>, vector<1x64xf32>,
    %get3A_50 = arith.constant 1 : index
    %get3A_51 = arith.constant 0 : index
    %get3A_52 = vector.load %arg8[%get3A_50, %get3A_51] : memref<2x64xf32, #tpu.memory_space<vmem>>, vector<1x64xf32>
    %mul3A_53 = arith.mulf %add3A_37, %add3A_37 : vector<4096x64xf32>
    %reduce_sum3A_54 = arith.constant dense<0.000000e+00> : vector<64xf32>
    %reduce_sum3A_55 = vector.multi_reduction <add>, %mul3A_53, %reduce_sum3A_54 [0] : vector<4096x64xf32> to vector<64xf32>
    %broadcast_in_dim3A_56 = vector.shape_cast %reduce_sum3A_55 : vector<64xf32> to vector<1x64xf32>
    %add3A_57 = arith.addf %get3A_52, %broadcast_in_dim3A_56 : vector<1x64xf32>
    %swap3A_58 = arith.constant 1 : index
    %swap3A_59 = arith.constant 0 : index
    %swap3A_60 = vector.load %arg8[%swap3A_58, %swap3A_59] : memref<2x64xf32, #tpu.memory_space<vmem>>, vector<1x64xf32>
    tpu.vector_store %arg8[%swap3A_58, %swap3A_59], %add3A_57 {strides = array<i32>} : memref<2x64xf32, #tpu.memory_space<vmem>>, vector<1x64xf32>,
    return
  }
  func.func @transform_0(%arg0: i32) -> (i32, i32) {
    %c0_i32 = arith.constant 0 : i32
    %c0_i32_0 = arith.constant 0 : i32
    return %arg0, %c0_i32 : i32, i32
  }
  func.func @transform_1(%arg0: i32) -> (i32, i32) {
    %c0_i32 = arith.constant 0 : i32
    %c0_i32_0 = arith.constant 0 : i32
    %c0_i32_1 = arith.constant 0 : i32
    return %c0_i32, %c0_i32_0 : i32, i32
  }
  func.func @transform_2(%arg0: i32) -> (i32, i32) {
    %c0_i32 = arith.constant 0 : i32
    %c0_i32_0 = arith.constant 0 : i32
    %c0_i32_1 = arith.constant 0 : i32
    return %c0_i32, %c0_i32_0 : i32, i32
  }
  func.func @transform_3(%arg0: i32) -> (i32, i32) {
    %c0_i32 = arith.constant 0 : i32
    %c0_i32_0 = arith.constant 0 : i32
    %c0_i32_1 = arith.constant 0 : i32
    return %c0_i32, %c0_i32_0 : i32, i32
  }
  func.func @transform_4(%arg0: i32) -> (i32, i32) {
    %c0_i32 = arith.constant 0 : i32
    %c0_i32_0 = arith.constant 0 : i32
    %c0_i32_1 = arith.constant 0 : i32
    return %c0_i32, %c0_i32_0 : i32, i32
  }
  func.func @transform_5(%arg0: i32) -> (i32, i32) {
    %c0_i32 = arith.constant 0 : i32
    %c0_i32_0 = arith.constant 0 : i32
    %c0_i32_1 = arith.constant 0 : i32
    return %c0_i32, %c0_i32_0 : i32, i32
  }
  func.func @transform_6(%arg0: i32) -> (i32, i32) {
    %c0_i32 = arith.constant 0 : i32
    %c0_i32_0 = arith.constant 0 : i32
    return %arg0, %c0_i32 : i32, i32
  }
  func.func @transform_7(%arg0: i32) -> (i32, i32) {
    %c0_i32 = arith.constant 0 : i32
    %c0_i32_0 = arith.constant 0 : i32
    %c0_i32_1 = arith.constant 0 : i32
    return %c0_i32, %c0_i32_0 : i32, i32
  }
}

module attributes {stable_mosaic.version = 14 : i64} {
  func.func @body(%arg0: i32, %arg1: memref<4096x64xf32, #tpu.memory_space<vmem>>, %arg2: memref<2x64xf32, #tpu.memory_space<vmem>>, %arg3: memref<1x64xf32, #tpu.memory_space<vmem>>, %arg4: memref<1x64xf32, #tpu.memory_space<vmem>>, %arg5: memref<64x128xf32, #tpu.memory_space<vmem>>, %arg6: memref<1x128xf32, #tpu.memory_space<vmem>>, %arg7: memref<4096x128xf32, #tpu.memory_space<vmem>>, %arg8: memref<2x128xf32, #tpu.memory_space<vmem>>) attributes {dimension_semantics = [#tpu.dimension_semantics<arbitrary>], iteration_bounds = array<i64: 32>, scalar_prefetch = 0 : i64, scratch_operands = 0 : i64, tpu.core_type = #tpu.core_type<tc>, window_params = [{transform_indices = @transform_0, window_bounds = array<i64: 4096, 64>}, {pipeline_mode = #tpu.pipeline_mode<synchronous>, transform_indices = @transform_1, window_bounds = array<i64: 2, 64>}, {pipeline_mode = #tpu.pipeline_mode<synchronous>, transform_indices = @transform_2, window_bounds = array<i64: 1, 64>}, {pipeline_mode = #tpu.pipeline_mode<synchronous>, transform_indices = @transform_3, window_bounds = array<i64: 1, 64>}, {pipeline_mode = #tpu.pipeline_mode<synchronous>, transform_indices = @transform_4, window_bounds = array<i64: 64, 128>}, {pipeline_mode = #tpu.pipeline_mode<synchronous>, transform_indices = @transform_5, window_bounds = array<i64: 1, 128>}, {transform_indices = @transform_6, window_bounds = array<i64: 4096, 128>}, {pipeline_mode = #tpu.pipeline_mode<synchronous>, transform_indices = @transform_7, window_bounds = array<i64: 2, 128>}]} {
    %get3A = arith.constant 0 : index
    %get3A_0 = arith.constant 0 : index
    %get3A_1 = vector.load %arg1[%get3A, %get3A_0] : memref<4096x64xf32, #tpu.memory_space<vmem>>, vector<4096x64xf32>
    %get3A_2 = arith.constant 0 : index
    %get3A_3 = arith.constant 0 : index
    %get3A_4 = vector.load %arg2[%get3A_2, %get3A_3] : memref<2x64xf32, #tpu.memory_space<vmem>>, vector<2x64xf32>
    %slice3A = vector.extract_strided_slice %get3A_4 {offsets = [0, 0], sizes = [1, 64], strides = [1, 1]} : vector<2x64xf32> to vector<1x64xf32>
    %mul3A = arith.constant 7.62939453E-6 : f32
    %mul3A_5 = vector.broadcast %mul3A : f32 to vector<1x64xf32>
    %mul3A_6 = arith.mulf %slice3A, %mul3A_5 : vector<1x64xf32>
    %slice3A_7 = vector.extract_strided_slice %get3A_4 {offsets = [1, 0], sizes = [1, 64], strides = [1, 1]} : vector<2x64xf32> to vector<1x64xf32>
    %mul3A_8 = arith.constant 7.62939453E-6 : f32
    %mul3A_9 = vector.broadcast %mul3A_8 : f32 to vector<1x64xf32>
    %mul3A_10 = arith.mulf %slice3A_7, %mul3A_9 : vector<1x64xf32>
    %mul3A_11 = arith.mulf %mul3A_6, %mul3A_6 : vector<1x64xf32>
    %sub3A = arith.subf %mul3A_10, %mul3A_11 : vector<1x64xf32>
    %sub3A_12 = vector.broadcast %mul3A_6 : vector<1x64xf32> to vector<4096x64xf32>
    %sub3A_13 = arith.subf %get3A_1, %sub3A_12 : vector<4096x64xf32>
    %add3A = arith.constant 9.99999974E-6 : f32
    %add3A_14 = vector.broadcast %add3A : f32 to vector<1x64xf32>
    %add3A_15 = arith.addf %sub3A, %add3A_14 : vector<1x64xf32>
    %sqrt3A = math.sqrt %add3A_15 : vector<1x64xf32>
    %div3A = vector.broadcast %sqrt3A : vector<1x64xf32> to vector<4096x64xf32>
    %div3A_16 = arith.divf %sub3A_13, %div3A : vector<4096x64xf32>
    %get3A_17 = arith.constant 0 : index
    %get3A_18 = arith.constant 0 : index
    %get3A_19 = vector.load %arg3[%get3A_17, %get3A_18] : memref<1x64xf32, #tpu.memory_space<vmem>>, vector<1x64xf32>
    %mul3A_20 = vector.broadcast %get3A_19 : vector<1x64xf32> to vector<4096x64xf32>
    %mul3A_21 = arith.mulf %div3A_16, %mul3A_20 : vector<4096x64xf32>
    %get3A_22 = arith.constant 0 : index
    %get3A_23 = arith.constant 0 : index
    %get3A_24 = vector.load %arg4[%get3A_22, %get3A_23] : memref<1x64xf32, #tpu.memory_space<vmem>>, vector<1x64xf32>
    %add3A_25 = vector.broadcast %get3A_24 : vector<1x64xf32> to vector<4096x64xf32>
    %add3A_26 = arith.addf %mul3A_21, %add3A_25 : vector<4096x64xf32>
    %max3A = arith.constant 0.000000e+00 : f32
    %max3A_27 = vector.broadcast %max3A : f32 to vector<4096x64xf32>
    %max3A_28 = arith.maximumf %add3A_26, %max3A_27 : vector<4096x64xf32>
    %get3A_29 = arith.constant 0 : index
    %get3A_30 = arith.constant 0 : index
    %get3A_31 = vector.load %arg5[%get3A_29, %get3A_30] : memref<64x128xf32, #tpu.memory_space<vmem>>, vector<64x128xf32>
    %dot_general3A = arith.constant dense<0.000000e+00> : vector<4096x128xf32>
    %dot_general3A_32 = tpu.matmul %max3A_28, %get3A_31, %dot_general3A {dimension_numbers = #tpu.dot_dimension_numbers<[1], [0], [0], [1], [0, 0, 1, 1], [], []>, transpose_lhs_hint = false} : vector<4096x64xf32>, vector<64x128xf32>, vector<4096x128xf32> -> vector<4096x128xf32>
    %get3A_33 = arith.constant 0 : index
    %get3A_34 = arith.constant 0 : index
    %get3A_35 = vector.load %arg6[%get3A_33, %get3A_34] : memref<1x128xf32, #tpu.memory_space<vmem>>, vector<1x128xf32>
    %add3A_36 = vector.broadcast %get3A_35 : vector<1x128xf32> to vector<4096x128xf32>
    %add3A_37 = arith.addf %dot_general3A_32, %add3A_36 : vector<4096x128xf32>
    %swap3A = arith.constant 0 : index
    %swap3A_38 = arith.constant 0 : index
    %swap3A_39 = vector.load %arg7[%swap3A, %swap3A_38] : memref<4096x128xf32, #tpu.memory_space<vmem>>, vector<4096x128xf32>
    tpu.vector_store %arg7[%swap3A, %swap3A_38], %add3A_37 {strides = array<i32>} : memref<4096x128xf32, #tpu.memory_space<vmem>>, vector<4096x128xf32>,
    %eq3A = arith.constant 0 : i32
    %eq3A_40 = arith.cmpi eq, %arg0, %eq3A : i32
    %convert_element_type3A = arith.extui %eq3A_40 : i1 to i32
    %cond3A = arith.constant 0 : i32
    %cond3A_41 = arith.cmpi ne, %convert_element_type3A, %cond3A : i32
    scf.if %cond3A_41 {
      %broadcast_in_dim3A_61 = arith.constant 0.000000e+00 : f32
      %broadcast_in_dim3A_62 = vector.broadcast %broadcast_in_dim3A_61 : f32 to vector<2x128xf32>
      %swap3A_63 = arith.constant 0 : index
      %swap3A_64 = arith.constant 0 : index
      %swap3A_65 = vector.load %arg8[%swap3A_63, %swap3A_64] : memref<2x128xf32, #tpu.memory_space<vmem>>, vector<2x128xf32>
      tpu.vector_store %arg8[%swap3A_63, %swap3A_64], %broadcast_in_dim3A_62 {strides = array<i32>} : memref<2x128xf32, #tpu.memory_space<vmem>>, vector<2x128xf32>,
    } else {
    }
    %get3A_42 = arith.constant 0 : index
    %get3A_43 = arith.constant 0 : index
    %get3A_44 = vector.load %arg8[%get3A_42, %get3A_43] : memref<2x128xf32, #tpu.memory_space<vmem>>, vector<1x128xf32>
    %reduce_sum3A = arith.constant dense<0.000000e+00> : vector<128xf32>
    %reduce_sum3A_45 = vector.multi_reduction <add>, %add3A_37, %reduce_sum3A [0] : vector<4096x128xf32> to vector<128xf32>
    %broadcast_in_dim3A = vector.shape_cast %reduce_sum3A_45 : vector<128xf32> to vector<1x128xf32>
    %add3A_46 = arith.addf %get3A_44, %broadcast_in_dim3A : vector<1x128xf32>
    %swap3A_47 = arith.constant 0 : index
    %swap3A_48 = arith.constant 0 : index
    %swap3A_49 = vector.load %arg8[%swap3A_47, %swap3A_48] : memref<2x128xf32, #tpu.memory_space<vmem>>, vector<1x128xf32>
    tpu.vector_store %arg8[%swap3A_47, %swap3A_48], %add3A_46 {strides = array<i32>} : memref<2x128xf32, #tpu.memory_space<vmem>>, vector<1x128xf32>,
    %get3A_50 = arith.constant 1 : index
    %get3A_51 = arith.constant 0 : index
    %get3A_52 = vector.load %arg8[%get3A_50, %get3A_51] : memref<2x128xf32, #tpu.memory_space<vmem>>, vector<1x128xf32>
    %mul3A_53 = arith.mulf %add3A_37, %add3A_37 : vector<4096x128xf32>
    %reduce_sum3A_54 = arith.constant dense<0.000000e+00> : vector<128xf32>
    %reduce_sum3A_55 = vector.multi_reduction <add>, %mul3A_53, %reduce_sum3A_54 [0] : vector<4096x128xf32> to vector<128xf32>
    %broadcast_in_dim3A_56 = vector.shape_cast %reduce_sum3A_55 : vector<128xf32> to vector<1x128xf32>
    %add3A_57 = arith.addf %get3A_52, %broadcast_in_dim3A_56 : vector<1x128xf32>
    %swap3A_58 = arith.constant 1 : index
    %swap3A_59 = arith.constant 0 : index
    %swap3A_60 = vector.load %arg8[%swap3A_58, %swap3A_59] : memref<2x128xf32, #tpu.memory_space<vmem>>, vector<1x128xf32>
    tpu.vector_store %arg8[%swap3A_58, %swap3A_59], %add3A_57 {strides = array<i32>} : memref<2x128xf32, #tpu.memory_space<vmem>>, vector<1x128xf32>,
    return
  }
  func.func @transform_0(%arg0: i32) -> (i32, i32) {
    %c0_i32 = arith.constant 0 : i32
    %c0_i32_0 = arith.constant 0 : i32
    return %arg0, %c0_i32 : i32, i32
  }
  func.func @transform_1(%arg0: i32) -> (i32, i32) {
    %c0_i32 = arith.constant 0 : i32
    %c0_i32_0 = arith.constant 0 : i32
    %c0_i32_1 = arith.constant 0 : i32
    return %c0_i32, %c0_i32_0 : i32, i32
  }
  func.func @transform_2(%arg0: i32) -> (i32, i32) {
    %c0_i32 = arith.constant 0 : i32
    %c0_i32_0 = arith.constant 0 : i32
    %c0_i32_1 = arith.constant 0 : i32
    return %c0_i32, %c0_i32_0 : i32, i32
  }
  func.func @transform_3(%arg0: i32) -> (i32, i32) {
    %c0_i32 = arith.constant 0 : i32
    %c0_i32_0 = arith.constant 0 : i32
    %c0_i32_1 = arith.constant 0 : i32
    return %c0_i32, %c0_i32_0 : i32, i32
  }
  func.func @transform_4(%arg0: i32) -> (i32, i32) {
    %c0_i32 = arith.constant 0 : i32
    %c0_i32_0 = arith.constant 0 : i32
    %c0_i32_1 = arith.constant 0 : i32
    return %c0_i32, %c0_i32_0 : i32, i32
  }
  func.func @transform_5(%arg0: i32) -> (i32, i32) {
    %c0_i32 = arith.constant 0 : i32
    %c0_i32_0 = arith.constant 0 : i32
    %c0_i32_1 = arith.constant 0 : i32
    return %c0_i32, %c0_i32_0 : i32, i32
  }
  func.func @transform_6(%arg0: i32) -> (i32, i32) {
    %c0_i32 = arith.constant 0 : i32
    %c0_i32_0 = arith.constant 0 : i32
    return %arg0, %c0_i32 : i32, i32
  }
  func.func @transform_7(%arg0: i32) -> (i32, i32) {
    %c0_i32 = arith.constant 0 : i32
    %c0_i32_0 = arith.constant 0 : i32
    %c0_i32_1 = arith.constant 0 : i32
    return %c0_i32, %c0_i32_0 : i32, i32
  }
}

module attributes {stable_mosaic.version = 14 : i64} {
  func.func @body(%arg0: i32, %arg1: memref<4096x128xf32, #tpu.memory_space<vmem>>, %arg2: memref<2x128xf32, #tpu.memory_space<vmem>>, %arg3: memref<1x128xf32, #tpu.memory_space<vmem>>, %arg4: memref<1x128xf32, #tpu.memory_space<vmem>>, %arg5: memref<4096x128xf32, #tpu.memory_space<vmem>>) attributes {dimension_semantics = [#tpu.dimension_semantics<arbitrary>], iteration_bounds = array<i64: 32>, scalar_prefetch = 0 : i64, scratch_operands = 0 : i64, tpu.core_type = #tpu.core_type<tc>, window_params = [{transform_indices = @transform_0, window_bounds = array<i64: 4096, 128>}, {pipeline_mode = #tpu.pipeline_mode<synchronous>, transform_indices = @transform_1, window_bounds = array<i64: 2, 128>}, {pipeline_mode = #tpu.pipeline_mode<synchronous>, transform_indices = @transform_2, window_bounds = array<i64: 1, 128>}, {pipeline_mode = #tpu.pipeline_mode<synchronous>, transform_indices = @transform_3, window_bounds = array<i64: 1, 128>}, {transform_indices = @transform_4, window_bounds = array<i64: 4096, 128>}]} {
    %get3A = arith.constant 0 : index
    %get3A_0 = arith.constant 0 : index
    %get3A_1 = vector.load %arg1[%get3A, %get3A_0] : memref<4096x128xf32, #tpu.memory_space<vmem>>, vector<4096x128xf32>
    %get3A_2 = arith.constant 0 : index
    %get3A_3 = arith.constant 0 : index
    %get3A_4 = vector.load %arg2[%get3A_2, %get3A_3] : memref<2x128xf32, #tpu.memory_space<vmem>>, vector<2x128xf32>
    %slice3A = vector.extract_strided_slice %get3A_4 {offsets = [0, 0], sizes = [1, 128], strides = [1, 1]} : vector<2x128xf32> to vector<1x128xf32>
    %mul3A = arith.constant 7.62939453E-6 : f32
    %mul3A_5 = vector.broadcast %mul3A : f32 to vector<1x128xf32>
    %mul3A_6 = arith.mulf %slice3A, %mul3A_5 : vector<1x128xf32>
    %slice3A_7 = vector.extract_strided_slice %get3A_4 {offsets = [1, 0], sizes = [1, 128], strides = [1, 1]} : vector<2x128xf32> to vector<1x128xf32>
    %mul3A_8 = arith.constant 7.62939453E-6 : f32
    %mul3A_9 = vector.broadcast %mul3A_8 : f32 to vector<1x128xf32>
    %mul3A_10 = arith.mulf %slice3A_7, %mul3A_9 : vector<1x128xf32>
    %mul3A_11 = arith.mulf %mul3A_6, %mul3A_6 : vector<1x128xf32>
    %sub3A = arith.subf %mul3A_10, %mul3A_11 : vector<1x128xf32>
    %sub3A_12 = vector.broadcast %mul3A_6 : vector<1x128xf32> to vector<4096x128xf32>
    %sub3A_13 = arith.subf %get3A_1, %sub3A_12 : vector<4096x128xf32>
    %add3A = arith.constant 9.99999974E-6 : f32
    %add3A_14 = vector.broadcast %add3A : f32 to vector<1x128xf32>
    %add3A_15 = arith.addf %sub3A, %add3A_14 : vector<1x128xf32>
    %sqrt3A = math.sqrt %add3A_15 : vector<1x128xf32>
    %div3A = vector.broadcast %sqrt3A : vector<1x128xf32> to vector<4096x128xf32>
    %div3A_16 = arith.divf %sub3A_13, %div3A : vector<4096x128xf32>
    %get3A_17 = arith.constant 0 : index
    %get3A_18 = arith.constant 0 : index
    %get3A_19 = vector.load %arg3[%get3A_17, %get3A_18] : memref<1x128xf32, #tpu.memory_space<vmem>>, vector<1x128xf32>
    %mul3A_20 = vector.broadcast %get3A_19 : vector<1x128xf32> to vector<4096x128xf32>
    %mul3A_21 = arith.mulf %div3A_16, %mul3A_20 : vector<4096x128xf32>
    %get3A_22 = arith.constant 0 : index
    %get3A_23 = arith.constant 0 : index
    %get3A_24 = vector.load %arg4[%get3A_22, %get3A_23] : memref<1x128xf32, #tpu.memory_space<vmem>>, vector<1x128xf32>
    %add3A_25 = vector.broadcast %get3A_24 : vector<1x128xf32> to vector<4096x128xf32>
    %add3A_26 = arith.addf %mul3A_21, %add3A_25 : vector<4096x128xf32>
    %max3A = arith.constant 0.000000e+00 : f32
    %max3A_27 = vector.broadcast %max3A : f32 to vector<4096x128xf32>
    %max3A_28 = arith.maximumf %add3A_26, %max3A_27 : vector<4096x128xf32>
    %swap3A = arith.constant 0 : index
    %swap3A_29 = arith.constant 0 : index
    %swap3A_30 = vector.load %arg5[%swap3A, %swap3A_29] : memref<4096x128xf32, #tpu.memory_space<vmem>>, vector<4096x128xf32>
    tpu.vector_store %arg5[%swap3A, %swap3A_29], %max3A_28 {strides = array<i32>} : memref<4096x128xf32, #tpu.memory_space<vmem>>, vector<4096x128xf32>,
    return
  }
  func.func @transform_0(%arg0: i32) -> (i32, i32) {
    %c0_i32 = arith.constant 0 : i32
    %c0_i32_0 = arith.constant 0 : i32
    return %arg0, %c0_i32 : i32, i32
  }
  func.func @transform_1(%arg0: i32) -> (i32, i32) {
    %c0_i32 = arith.constant 0 : i32
    %c0_i32_0 = arith.constant 0 : i32
    %c0_i32_1 = arith.constant 0 : i32
    return %c0_i32, %c0_i32_0 : i32, i32
  }
  func.func @transform_2(%arg0: i32) -> (i32, i32) {
    %c0_i32 = arith.constant 0 : i32
    %c0_i32_0 = arith.constant 0 : i32
    %c0_i32_1 = arith.constant 0 : i32
    return %c0_i32, %c0_i32_0 : i32, i32
  }
  func.func @transform_3(%arg0: i32) -> (i32, i32) {
    %c0_i32 = arith.constant 0 : i32
    %c0_i32_0 = arith.constant 0 : i32
    %c0_i32_1 = arith.constant 0 : i32
    return %c0_i32, %c0_i32_0 : i32, i32
  }
  func.func @transform_4(%arg0: i32) -> (i32, i32) {
    %c0_i32 = arith.constant 0 : i32
    %c0_i32_0 = arith.constant 0 : i32
    return %arg0, %c0_i32 : i32, i32
  }
}

</mosaic_0001>

<sc_bundles>
// kernel: kernel.9.cloned.1.call-start
scs
__scs_entry_jumppad:
0x0: {  	(pc) =	sbr.rel $0x88, $3  }
0x1: {  	(tag) =	ssettag $0x0;
	lr =	simm.s32 $0x1  }
0x2: {  	[smem:$0x3F93] =	sst lr;
	_ =	strace $0xD0000000  }
0x3: {  	_ = 	snop  }
0x4: {  	_ = 	snop  }
0x5: {  	_ = 	snop  }
0x6: {  	_ = 	snop  }
0x7: {  	_ = 	snop  }
__scs_overlays_trampoline_lowered:
0x8: {  	[smem:$0x3FA2] =	sst s0  }
0x9: {  	[smem:$0x3FA3] =	sst s1  }
0xa: {  	[smem:$0x3FA4] =	sst s2  }
0xb: {  	[smem:$0x3FA5] =	sst s3  }
0xc: {  	[smem:$0x3FA6] =	sst s4  }
0xd: {  	[smem:$0x3FA7] =	sst s5  }
0xe: {  	[smem:$0x3FA8] =	sst s6  }
0xf: {  	[smem:$0x3FA9] =	sst s7  }
0x10: {  	[smem:$0x3FAA] =	sst s8  }
0x11: {  	[smem:$0x3FAB] =	sst s9;
	s0 =	simm.s32 @!p0 $0x0  }
0x12: {  	s1 =	sld [smem:$0x3F91];
	s0 =	simm.s32 @p0 $0x1  }
0x13: {  	[smem:$0x3FAC] =	sst s0;
	s0 =	simm.s32 @!p1 $0x0  }
0x14: {  	s2 =	sld [smem:$0x3F90];
	s0 =	simm.s32 @p1 $0x1  }
0x15: {  	[smem:$0x3FAD] =	sst s0;
	s0 =	simm.s32 @!p2 $0x0  }
0x16: {  	s3 =	sld [smem:$0x3FDB];
	s0 =	simm.s32 @p2 $0x1  }
0x17: {  	s4 =	simm.s32 $0x1BF5;
	[smem:$0x3FAF] =	sst s0  }
0x18: {  	s0 =	sld [smem:$0x3F92];
	_ =	swait.ge [sflag:s4], $0x0  }
0x19: {  	s7 =	sld [smem:$0x3F93]  }
0x1a: {  	s8 =	sadd.s32 $0xFFFFE003, lr  }
0x1b: {  	s9 =	sadd.s32 $0xFFFFFEF7, lr;
	s5 =	simm.s32 $0xFFFFFFFF;
	p2 =	slt.u32 s8, $0xFFFFF086  }
0x1c: {  	p1 =	slt.u32 s9, $0xF7A;
	s5 =	simm.s32 @!p2 $0x0  }
0x1d: {  	s5 =	simm.s32 @p1 $0x1;
	p0 =	seq.s32 s7, s2  }
0x1e: {  	s7 =	smul.u32 @!p0 $0xF7A, s2;
	p2 =	seq.s32 @!p0 s5, $0x0  }
0x1f: {  	s9 =	smul.u32 $0xF7A, s1;
	s8 =	simm.s32 @!p0 $0x1BF5;
	p2 =	por !p2, p0  }
0x20: {  	[sflag:s8] =	ssyncset.s32 @!p0 $0xFFFFF086;
	s6 =	sadd.s32 @!p0 s3, s7;
	s7 =	simm.s32 @!p0 $0x108  }
0x21: {  	s3 =	sadd.s32 s3, s9;
	s6 =	sadd.s32 @!p0 $0x88, s6;
	s7 =	simm.s32 @p2 $0x1082  }
0x22: {  	[simem:s7], [sflag:s8] =	dma.local @!p0 [hbm:s6], $0xF7A  }
0x23: {  	s9 =	sor.u32 $0xD0000000, s2;
	s6 =	simm.s32 $0x108;
	_ =	swait.ge @!p0 [sflag:s8], $0x0  }
0x24: {  	s3 =	sadd.s32 $0x88, s3;
	s6 =	simm.s32 @!p1 $0x1082;
	[sflag:s4] =	ssyncset.s32 $0xFFFFF086  }
0x25: {  	[simem:s6], [sflag:s4] =	dma.local [hbm:s3], $0xF7A  }
0x26: {  	[smem:$0x3F93] =	sst s1;
	(tag) =	ssettag s2;
	_ =	strace s9  }
0x27: {  	s1 =	sld [smem:$0x3FA3]  }
0x28: {  	s2 =	sld [smem:$0x3FA4]  }
0x29: {  	s4 =	sld [smem:$0x3FA6]  }
0x2a: {  	p0 =	seq.s32 s5, $0x0;
	s5 =	sld [smem:$0x3FA7]  }
0x2b: {  	s6 =	sld [smem:$0x3FA8]  }
0x2c: {  	s7 =	sld [smem:$0x3FA9]  }
0x2d: {  	s3 =	simm.s32 $0x108;
	s8 =	sld [smem:$0x3FAA]  }
0x2e: {  	s3 =	simm.s32 @!p0 $0x1082;
	s9 =	sld [smem:$0x3FAB]  }
0x2f: {  	lr =	sadd.s32 s0, s3;
	s0 =	sld [smem:$0x3FA2]  }
0x30: {  	s3 =	sld [smem:$0x3FA5]  }
0x31: {  	[smem:$0x3FAE] =	sst s10  }
0x32: {  	s10 =	sld [smem:$0x3FAC];
	_ =	sdelay $0x3  }
0x33: {  	p0 =	seq.s32 s10, $0x1;
	s10 =	sld [smem:$0x3FAE];
	_ =	sdelay $0x3  }
0x34: {  	[smem:$0x3FAE] =	sst s10  }
0x35: {  	s10 =	sld [smem:$0x3FAD];
	_ =	sdelay $0x3  }
0x36: {  	p1 =	seq.s32 s10, $0x1;
	s10 =	sld [smem:$0x3FAE];
	_ =	sdelay $0x3  }
0x37: {  	[smem:$0x3FAE] =	sst s10  }
0x38: {  	s10 =	sld [smem:$0x3FAF]  }
0x39: {  	_ = 	snop;
	(pc) =	sbr.ind lr, $3  }
0x3a: {  	_ = 	snop  }
0x3b: {  	_ = 	snop  }
0x3c: {  	p2 =	seq.s32 s10, $0x1;
	s10 =	sld [smem:$0x3FAE]  }
0x3d: {  	_ =	shalt  }
0x3e: {  	_ =	shalt  }
0x3f: {  	_ =	shalt  }
0x40: {  	_ =	shalt  }
0x41: {  	_ =	shalt  }
0x42: {  	_ =	shalt  }
0x43: {  	_ =	shalt  }
0x44: {  	_ =	shalt  }
0x45: {  	_ =	shalt  }
0x46: {  	_ =	shalt  }
0x47: {  	_ =	shalt  }
0x48: {  	_ =	shalt  }
0x49: {  	_ =	shalt  }
0x4a: {  	_ =	shalt  }
0x4b: {  	_ =	shalt  }
0x4c: {  	_ =	shalt  }
0x4d: {  	_ =	shalt  }
0x4e: {  	_ =	shalt  }
0x4f: {  	_ =	shalt  }
0x50: {  	_ =	shalt  }
0x51: {  	_ =	shalt  }
0x52: {  	_ =	shalt  }
0x53: {  	_ =	shalt  }
0x54: {  	_ =	shalt  }
0x55: {  	_ =	shalt  }
0x56: {  	_ =	shalt  }
0x57: {  	_ =	shalt  }
0x58: {  	_ =	shalt  }
0x59: {  	_ =	shalt  }
0x5a: {  	_ =	shalt  }
0x5b: {  	_ =	shalt  }
0x5c: {  	_ =	shalt  }
0x5d: {  	_ =	shalt  }
0x5e: {  	_ =	shalt  }
0x5f: {  	_ =	shalt  }
0x60: {  	_ =	shalt  }
0x61: {  	_ =	shalt  }
0x62: {  	_ =	shalt  }
0x63: {  	_ =	shalt  }
0x64: {  	_ =	shalt  }
0x65: {  	_ =	shalt  }
0x66: {  	_ =	shalt  }
0x67: {  	_ =	shalt  }
0x68: {  	_ =	shalt  }
0x69: {  	_ =	shalt  }
0x6a: {  	_ =	shalt  }
0x6b: {  	_ =	shalt  }
0x6c: {  	_ =	shalt  }
0x6d: {  	_ =	shalt  }
0x6e: {  	_ =	shalt  }
0x6f: {  	_ =	shalt  }
0x70: {  	_ =	shalt  }
0x71: {  	_ =	shalt  }
0x72: {  	_ =	shalt  }
0x73: {  	_ =	shalt  }
0x74: {  	_ =	shalt  }
0x75: {  	_ =	shalt  }
0x76: {  	_ =	shalt  }
0x77: {  	_ =	shalt  }
0x78: {  	_ =	shalt  }
0x79: {  	_ =	shalt  }
0x7a: {  	_ =	shalt  }
0x7b: {  	_ =	shalt  }
0x7c: {  	_ =	shalt  }
0x7d: {  	_ =	shalt  }
0x7e: {  	_ =	shalt  }
0x7f: {  	_ =	shalt  }
0x80: {  	_ =	shalt  }
0x81: {  	_ =	shalt  }
0x82: {  	_ =	shalt  }
0x83: {  	_ =	shalt  }
0x84: {  	_ =	shalt  }
0x85: {  	_ =	shalt  }
0x86: {  	_ =	shalt  }
0x87: {  	_ =	shalt  }
.Lfunc_end0:
.L_simem_size_0:
called_computation.1_lowered:
.L_overlay_start_0:
0x88: {  	s2 =	sld [smem:$0x3FD9]  }
0x89: {  	s3 =	sld [smem:$0x3FFE];
	_ =	sdelay $0x1  }
0x8a: {  	s1 =	srdreg.scid  }
0x8b: {  	s0 =	sand.u32 $0x1, s1  }
0x8c: {  	s16 =	sshll.u32 s0, $0xA;
	s2 =	sadd.s32 s3, s2  }
0x8d: {  	s2 =	sadd.s32 s2, s16  }
0x8e: {  	[smem:$0x3FBA] =	sst s2  }
0x8f: {  	_ = 	snop  }
0x90: {  	(tm) =	ssettm $0x1  }
0x91: {  	s17 =	sld [smem:$0x3FFB];
	_ =	sdelay $0x3  }
0x92: {  	_ =	strace s17  }
0x93: {  	s2 =	sld [smem:$0x3FFC];
	_ =	sdelay $0x3  }
0x94: {  	_ =	strace s2  }
0x95: {  	s2 =	sld [smem:$0x3FFD];
	_ =	sdelay $0x3  }
0x96: {  	_ =	strace s2  }
0x97: {  	_ =	strace $0x8FFFFFFF  }
0x98: {  	s18 =	sld [smem:$0x3FDB];
	_ =	sdelay $0x1  }
0x99: {  	s19 =	simm.s32 $_scs_section_size  }
0x9a: {  	s4 =	simm.s32 $_size__tile_overlayer_lowered;
	s5 =	simm.s32 $_tile_overlayer_lowered  }
0x9b: {  	s22 =	simm.s32 $0x1BFF;
	s21 =	sshll.u32 s5, $0x1;
	s2 =	sadd.s32 s19, s18  }
0x9c: {  	s6 =	simm.s32 $0x0;
	s20 =	sshll.u32 s4, $0x1;
	s4 =	sadd.s32 s21, s2  }
0x9d: {  	[timem:s6], [sflag:s22] =	dma.local [hbm:s4], s20  }
0x9e: {  	_ =	swait.ge [sflag:s22], s20  }
0x9f: {  	s3 =	ssub.s32 $0x0, s20;
	[sflag:s22] =	ssyncset.done $0x0  }
0xa0: {  	[sflag:s22] =	ssyncadd.s32 s3;
	_ =	sdelay $0x1  }
0xa1: {  	s23 =	simm.s32 $0x1B8B  }
0xa2: {  	_ =	swait.ge [sflag:s23], $0x1  }
0xa3: {  	[sflag:s23] =	ssyncset.done $0x0  }
0xa4: {  	s25 =	simm.s32 $0x1B8E;
	s24 =	sld [smem:$0x3FFE];
	[sflag:s23] =	ssyncadd.s32 $0xFFFFFFFF  }
0xa5: {  	s26 =	simm.s32 $execute0_lowered;
	[smem:$0x3FD2] =	sst s25  }
0xa6: {  	s4 =	sshll.u32 s26, $0x1;
	_ =	strace $0x80000046;
	[dreg:$0x1] =	wrdreg $0xFFFFFFFF  }
0xa7: {  	s28 =	simm.s32 $_size_execute0_lowered;
	s2 =	sadd.s32 s2, s4;
	[dreg:$0x0] =	wrdreg $0x0  }
0xa8: {  	s4 =	sshll.u32 s28, $0x1;
	[dreg:$0x2] =	wrdreg s2  }
0xa9: {  	[dreg:$0x3] =	wrdreg s4  }
0xaa: {  	[dreg:$0x4] =	wrdreg $0xC0  }
0xab: {  	_ =	task [dreg:s6], $0x5FFFF  }
0xac: {  	[dreg:$0x1] =	wrdreg $0xFFFFFFFF  }
0xad: {  	[dreg:$0x0] =	wrdreg $0x60  }
0xae: {  	[dreg:$0x2] =	wrdreg s24  }
0xaf: {  	[dreg:$0x3] =	wrdreg $0x9  }
0xb0: {  	_ =	task.clear_ibuf [dreg:s6], $0x4FFFF;
	_ =	strace $0x90000046  }
0xb1: {  	s29 =	simm.s32 $0x9;
	_ =	strace $0x80000048  }
0xb2: {  	_ =	swait.ge [sflag:s29], $0x1  }
0xb3: {  	[sflag:s29] =	ssyncadd.s32 $0xFFFFFFFF  }
0xb4: {  	_ =	strace $0x90000048  }
0xb5: {  	_ =	sfence  }
0xb6: {  	s30 =	sld [smem:$0x0];
	_ =	sdelay $0x2  }
0xb7: {  	s31 =	sshll.u32 s1, $0xD;
	s1 =	sshrl.u32 s1, $0x2  }
0xb8: {  	s3 =	sand.u32 $0x4000, s31;
	s1 =	sadd.s32 s1, s30  }
0xb9: {  	s0 =	sor.u32 s3, s0;
	s1 =	sshll.u32 s1, $0x11  }
0xba: {  	s0 =	sor.u32 s1, s0  }
0xbb: {  	s0 =	sadd.s32 $0x8F2B, s0  }
0xbc: {  	[sflag:s0] =	ssyncadd.remote.s32 $0x1  }
0xbd: {  	_ =	sfence.sel $0xFFFF  }
0xbe: {  	[dreg:$0x0] =	wrdreg $0xFFFFFFFF;
	(pc) =	sbr.abs _section_cstart, $3  }
0xbf: {  	[dreg:$0x1] =	wrdreg $0xFFFFFFFF  }
0xc0: {  	_ =	task.clear_ibuf [dreg:s6], $0x2FFFF;
	_ =	strace $0x9FFFFFFF  }
0xc1: {  	(tm) =	ssettm $0x7FFFFFFF  }
tec
execute0_lowered:
.L_overlay_start_1:
0x0: {  	(tag) =	ssettag $0x1  }
0x1: {  	s4 =	rddreg [dreg:$0x0]  }
0x2: {  	s0 =	rddreg [dreg:$0x1];
	s2 =	simm.s32 $0x0;
	s3 =	srdreg.scid  }
0x3: {  	s1 =	stileid.u32;
	s10 =	simm.s32 $0x1;
	s11 =	simm.s32 $0x0  }
0x4: {  	[smem:$0x7FF] =	sst s2;
	s5 =	sand.u32 $0x1, s3;
	s6 =	sshll.u32 s1, $0xA  }
0x5: {  	s3 =	sadd.s32 $0x7400, s4;
	s8 =	sshll.u32 s1, $0x11;
	_ =	strace $0x80000047  }
0x6: {  	s7 =	sshll.u32 s5, $0x9;
	s29 =	ssub.s32 $0x2, s5;
	s8 =	sadd.s32 s8, s4  }
0x7: {  	s30 =	sshll.u32 s5, $0x10;
	s6 =	sor.u32 s7, s6;
	s9 =	sshrl.u32 s29, $0x1  }
0x8: {  	s31 =	sadd.s32 s30, s8;
	s8 =	simm.s32 $0x80;
	s6 =	sadd.s32 s6, s4  }
0x9: {  	s7 =	ssub.s32 s29, s9;
	s9 =	simm.s32 $0x1000;
	s4 =	sadd.s32 $0x3400, s6  }
0xa: {  	s5 =	smax.u32 s7, $0x1;
	s6 =	sadd.s32 $0x87400, s31;
	s7 =	simm.s32 $0x2  }
.LBB2_1:
0xb: {  	[tilespmem:s2], [sflag:$0x2] =	stream.linear.gather [hbm4b:s4+s2], $0x1000, $0x38;
	[tilespmem:$0x5000] =	vst v63  }
0xc: {  	_ =	swait.ge [sflag:s7], $0x1000  }
0xd: {  	[sflag:s7] =	ssyncset.done $0x0  }
0xe: {  	s12 =	simm.s32 $0x0;
	[sflag:s7] =	ssyncadd.s32 $0xFFFFF000  }
0xf: {  	[tilespmem:s9], [sflag:$0x1] =	stream.indirect.gather [hbm4b:s3+s8], $0x80, s12, s8, $0xb8;
	[tilespmem:$0x5000] =	vst v63  }
0x10: {  	_ =	swait.ge [sflag:s10], $0x4000  }
0x11: {  	[sflag:s10] =	ssyncset.done $0x0  }
0x12: {  	[sflag:s10] =	ssyncadd.s32 $0xFFFFC000  }
0x13: {  	[hbm4b:s6+s2] =	stream.linear.scatter [tilespmem:s9], [sflag:$0x2], $0x4000, $0x38;
	[tilespmem:$0x5000] =	vst v63  }
0x14: {  	s13 =	simm.s32 $0x200;
	_ =	swait.ge [sflag:s7], $0x4000  }
0x15: {  	s14 =	simm.s32 $0x400;
	s12 =	sadd.s32 $0x800, s6;
	[sflag:s7] =	ssyncset.done $0x0  }
.LBB2_2:
0x16: {  	s15 =	sshra.s32 s13, $0x2  }
0x17: {  	[sflag:s7] =	ssyncadd.s32 $0xFFFFC000;
	s13 =	smov.u32 s14;
	s16 =	sadd.s32 $0x200, s14  }
0x18: {  	[tilespmem:s9], [sflag:$0x1] =	stream.indirect.gather [hbm4b:s3+s8], $0x80, s15, s8, $0xb8;
	[tilespmem:$0x5000] =	vst v63  }
0x19: {  	p0 =	sne.s32 s14, $0x3E00;
	_ =	swait.ge [sflag:s10], $0x4000  }
.Ltmp0:
0x1a: {  	[sflag:s10] =	ssyncset.done $0x0;
	(pc) =	sbr.rel @p0 .LBB2_2-.Ltmp0, $4  }
0x1b: {  	[sflag:s10] =	ssyncadd.s32 $0xFFFFC000  }
0x1c: {  	[hbm4b:s12+s2] =	stream.linear.scatter [tilespmem:s9], [sflag:$0x2], $0x4000, $0x38;
	[tilespmem:$0x5000] =	vst v63  }
0x1d: {  	_ =	swait.ge [sflag:s7], $0x4000  }
0x1e: {  	s14 =	smov.u32 s16;
	s12 =	sadd.s32 $0x800, s12;
	[sflag:s7] =	ssyncset.done $0x0  }
0x1f: {  	s13 =	sshra.s32 s13, $0x2;
	[sflag:s7] =	ssyncadd.s32 $0xFFFFC000  }
0x20: {  	[tilespmem:s9], [sflag:$0x1] =	stream.indirect.gather [hbm4b:s3+s8], $0x80, s13, s8, $0xb8;
	[tilespmem:$0x5000] =	vst v63  }
0x21: {  	s11 =	sadd.s32 $0x1, s11;
	_ =	swait.ge [sflag:s10], $0x4000  }
0x22: {  	p0 =	sne.s32 s11, s5;
	[sflag:s10] =	ssyncset.done $0x0  }
.Ltmp1:
0x23: {  	[sflag:s10] =	ssyncadd.s32 $0xFFFFC000;
	(pc) =	sbr.rel @p0 .LBB2_1-.Ltmp1, $4  }
0x24: {  	[hbm4b:s12+s2] =	stream.linear.scatter [tilespmem:s9], [sflag:$0x2], $0x4000, $0x38;
	[tilespmem:$0x5000] =	vst v63  }
0x25: {  	_ =	swait.ge [sflag:s7], $0x4000  }
0x26: {  	[sflag:s7] =	ssyncset.done $0x0  }
0x27: {  	[sflag:s7] =	ssyncadd.s32 $0xFFFFC000  }
0x28: {  	_ =	sfence.sel $0x180000  }
0x29: {  	[bflag:$0x0] =	sbarrier.arrive $0xFFFF  }
0x2a: {  	p0 =	sne.s32 s1, $0x0;
	_ =	strace $0x90000047  }
0x2b: {  	s0 =	sadd.s32 @!p0 $0x100000, s0;
	[bflag:$0x2] =	sbarrier.arrive $0xFFFF  }
0x2c: {  	[sflag:s0] =	ssyncadd.tile.s32 @!p0 $0x1;
	_ =	shalt  }
.Lfunc_end2:
_tile_overlayer_lowered:
.L_overlay_start_2:
0x2d: {  	(tag) =	ssettag $0x2  }
0x2e: {  	s0 =	rddreg [dreg:$0x0];
	s2 =	stileid.u32  }
0x2f: {  	s1 =	rddreg [dreg:$0x1];
	p0 =	sne.s32 s2, $0x0  }
0x30: {  	s3 =	rddreg [dreg:$0x2];
	[bflag:$0x3] =	sbarrier.arrive $0xFFFF;
	s2 =	simm.s32 @!p0 $0x1C02  }
0x31: {  	[timem:s3], [sflag:s2] =	dma.local @!p0 [hbm:s0], s1  }
0x32: {  	s0 =	simm.s32 @!p0 $0x2  }
0x33: {  	_ =	swait.ge @!p0 [sflag:s0], s1  }
0x34: {  	s1 =	ssub.s32 @!p0 $0x0, s1;
	[sflag:s0] =	ssyncset.done @!p0 $0x0  }
0x35: {  	[sflag:s0] =	ssyncadd.s32 @!p0 s1  }
0x36: {  	[bflag:$0x3] =	sbarrier.arrive $0xFFFF  }
0x37: {  	_ =	shalt  }

// kernel: sparse-core-data-format-call.cloned.1.call-start
scs
called_computation_lowered:
.L_overlay_start_0:
0x0: {  	s2 =	sld [smem:$0x3FD9]  }
0x1: {  	s3 =	sld [smem:$0x3FFE];
	_ =	sdelay $0x1  }
0x2: {  	s1 =	srdreg.scid  }
0x3: {  	s0 =	sand.u32 $0x1, s1  }
0x4: {  	s15 =	sshll.u32 s0, $0xA;
	s2 =	sadd.s32 s3, s2  }
0x5: {  	s2 =	sadd.s32 s2, s15  }
0x6: {  	[smem:$0x3FBA] =	sst s2  }
0x7: {  	_ = 	snop  }
0x8: {  	s2 =	sld [smem:$0x3FD0];
	_ =	sdelay $0x2  }
0x9: {  	s16 =	simm.s32 $0xA;
	s4 =	simm.s32 $0x10  }
0xa: {  	[smem:s4], [sflag:s16] =	dma.local [hbm:s2], $0x1  }
0xb: {  	_ =	swait.eq [sflag:s16], $0x1  }
0xc: {  	[sflag:s16] =	ssyncset.done $0x0  }
0xd: {  	[sflag:s16] =	ssyncadd.s32 $0xFFFFFFFF  }
0xe: {  	s17 =	sld [smem:$0x11];
	(tm) =	ssettm $0x1  }
0xf: {  	s18 =	sld [smem:$0x3FFB];
	_ =	sdelay $0x3  }
0x10: {  	_ =	strace s18  }
0x11: {  	s3 =	sld [smem:$0x3FFC];
	_ =	sdelay $0x3  }
0x12: {  	_ =	strace s3  }
0x13: {  	s3 =	sld [smem:$0x3FFD];
	_ =	sdelay $0x3  }
0x14: {  	_ =	strace s3  }
0x15: {  	_ =	strace $0x8FFFFFFF  }
0x16: {  	s19 =	sld [smem:$0x3FDB];
	_ =	sdelay $0x1  }
0x17: {  	s20 =	simm.s32 $_scs_section_size  }
0x18: {  	s5 =	simm.s32 $_size__tile_overlayer_lowered;
	s6 =	simm.s32 $_tile_overlayer_lowered  }
0x19: {  	s23 =	simm.s32 $0x1BFF;
	s22 =	sshll.u32 s6, $0x1;
	s3 =	sadd.s32 s20, s19  }
0x1a: {  	s7 =	simm.s32 $0x0;
	s21 =	sshll.u32 s5, $0x1;
	s5 =	sadd.s32 s22, s3  }
0x1b: {  	[timem:s7], [sflag:s23] =	dma.local [hbm:s5], s21  }
0x1c: {  	_ =	swait.ge [sflag:s23], s21  }
0x1d: {  	s4 =	ssub.s32 $0x0, s21;
	[sflag:s23] =	ssyncset.done $0x0  }
0x1e: {  	[sflag:s23] =	ssyncadd.s32 s4;
	_ =	sdelay $0x1  }
0x1f: {  	s24 =	simm.s32 $0x1B8B  }
0x20: {  	_ =	swait.ge [sflag:s24], $0x1  }
0x21: {  	[sflag:s24] =	ssyncset.done $0x0  }
0x22: {  	s26 =	simm.s32 $0x1B8E;
	s25 =	sld [smem:$0x3FFE];
	[sflag:s24] =	ssyncadd.s32 $0xFFFFFFFF  }
0x23: {  	s27 =	simm.s32 $execute0_lowered;
	[smem:$0x3FD2] =	sst s26  }
0x24: {  	s5 =	sshll.u32 s27, $0x1;
	_ =	strace $0x80000049;
	[dreg:$0x1] =	wrdreg $0xFFFFFFFF  }
0x25: {  	s28 =	simm.s32 $_size_execute0_lowered;
	s3 =	sadd.s32 s3, s5;
	[dreg:$0x0] =	wrdreg $0x0  }
0x26: {  	s5 =	sshll.u32 s28, $0x1;
	[dreg:$0x2] =	wrdreg s3  }
0x27: {  	[dreg:$0x3] =	wrdreg s5  }
0x28: {  	[dreg:$0x4] =	wrdreg $0xC0  }
0x29: {  	_ =	task [dreg:s7], $0x5FFFF  }
0x2a: {  	[dreg:$0x1] =	wrdreg $0xFFFFFFFF  }
0x2b: {  	[dreg:$0x0] =	wrdreg $0x60  }
0x2c: {  	[dreg:$0x2] =	wrdreg s25  }
0x2d: {  	[dreg:$0x3] =	wrdreg s17  }
0x2e: {  	[dreg:$0x4] =	wrdreg $0x9  }
0x2f: {  	_ =	task.clear_ibuf [dreg:s7], $0x5FFFF;
	_ =	strace $0x90000049  }
0x30: {  	s29 =	simm.s32 $0x9;
	_ =	strace $0x8000004B  }
0x31: {  	_ =	swait.ge [sflag:s29], $0x1  }
0x32: {  	[sflag:s29] =	ssyncadd.s32 $0xFFFFFFFF  }
0x33: {  	_ =	strace $0x9000004B  }
0x34: {  	_ =	sfence  }
0x35: {  	s30 =	sld [smem:$0x0];
	_ =	sdelay $0x2  }
0x36: {  	s31 =	sshll.u32 s1, $0xD;
	s1 =	sshrl.u32 s1, $0x2  }
0x37: {  	s3 =	sand.u32 $0x4000, s31;
	s1 =	sadd.s32 s1, s30  }
0x38: {  	s0 =	sor.u32 s3, s0;
	s1 =	sshll.u32 s1, $0x11  }
0x39: {  	s0 =	sor.u32 s1, s0  }
0x3a: {  	s0 =	sadd.s32 $0x8F2B, s0  }
0x3b: {  	[sflag:s0] =	ssyncadd.remote.s32 $0x1  }
0x3c: {  	_ =	sfence.sel $0xFFFF  }
0x3d: {  	[dreg:$0x0] =	wrdreg $0xFFFFFFFF;
	(pc) =	sbr.abs _section_cstart, $3  }
0x3e: {  	[dreg:$0x1] =	wrdreg $0xFFFFFFFF  }
0x3f: {  	_ =	task.clear_ibuf [dreg:s7], $0x2FFFF;
	_ =	strace $0x9FFFFFFF  }
0x40: {  	(tm) =	ssettm $0x7FFFFFFF  }
0x41: {  	_ =	shalt  }
tec
execute0_lowered:
.L_overlay_start_1:
0x0: {  	(tag) =	ssettag $0x1  }
0x1: {  	s0 =	stileid.u32;
	s4 =	rddreg [dreg:$0x0]  }
0x2: {  	s1 =	srdreg.scid;
	s3 =	rddreg [dreg:$0x1];
	s7 =	simm.s32 $0x1  }
0x3: {  	s31 =	simm.s32 $0x2;
	s2 =	sshll.u32 s0, $0x4;
	s1 =	sshll.u32 s1, $0x8  }
0x4: {  	s16 =	simm.s32 $0x0;
	s9 =	simm.s32 $0x4000;
	s1 =	sor.u32 s2, s1  }
0x5: {  	s14 =	simm.s32 $0x0;
	s15 =	simm.s32 $0x0;
	s2 =	sand.u32 $0x180, s1  }
0x6: {  	s10 =	simm.s32 $0x0;
	s13 =	simm.s32 $0x0;
	s5 =	ssub.s32 $0x200, s2  }
0x7: {  	s4 =	sadd.s32 $0x3400, s4;
	s1 =	rddreg [dreg:$0x2];
	s6 =	sand.u32 $0x180, s5  }
.Ltmp0:
0x8: {  	_ =	strace $0x8000004A;
	p0 =	sne.s32 s6, $0x0;
	(pc) =	sbr.rel .LBB1_1-.Ltmp0, $4  }
0x9: {  	s11 =	smov.u32 s2;
	s8 =	sshrl.u32 s5, $0x9;
	s7 =	simm.s32 @!p0 $0x0  }
0xa: {  	s5 =	sand.u32 $0x7, s0;
	s6 =	simm.s32 $0x1;
	s7 =	sadd.s32 s7, s8  }
0xb: {  	s12 =	smov.u32 s5;
	[sflag:s6] =	ssyncpa.u1 $0x0;
	s7 =	sshll.u32 s7, $0x5  }
0xc: {  	p0 =	por $0x0, $0x0;
	[sflag:s31] =	ssyncpa.u1 $0x0;
	s8 =	sor.u32 $0x1, s7  }
.LBB1_4:
0xd: {  	v5 =	vld [tilespmem:s19+$0xFFFFFFD0];
	[tilespmem:s20+$0x2040 ss:$0x81] =	vst.msk $0xffff, v1  }
0xe: {  	v58 =	vld [tilespmem:s19+$0xFFFFFFE0];
	[tilespmem:s20+$0x2850 ss:$0x81] =	vst.msk $0xffff, v2  }
0xf: {  	s21 =	sshra.s32 s21, $0x2;
	v59 =	vld [tilespmem:s19+$0xFFFFFFF0];
	[tilespmem:s20+$0x3060 ss:$0x81] =	vst.msk $0xffff, v3  }
0x10: {  	v60 =	vld [tilespmem:s19+$0x0];
	[tilespmem:s20+$0x0 ss:$0x81] =	vst.msk $0xffff, v0;
	s18 =	sadd.s32 s21, s18  }
0x11: {  	v61 =	vld [tilespmem:s19+$0x10];
	s25 =	sshll.u32 s16, $0x9;
	[tilespmem:s18+$0x3870 ss:$0x81] =	vst.msk $0xffff, v4  }
0x12: {  	s26 =	sshll.u32 s14, $0x3;
	v62 =	vld [tilespmem:s19+$0x20];
	s27 =	sshll.u32 s16, $0x7;
	s30 =	sand.u32 $0x78, s14;
	[tilespmem:s18+$0x810 ss:$0x81] =	vst.msk $0xffff, v5  }
0x13: {  	v63 =	vld [tilespmem:s19+$0xFFFFFFC0];
	s15 =	sshll.u32 s15, $0x12;
	s20 =	sand.u32 $0x3000, s25;
	s21 =	sand.u32 $0x3C00, s26;
	[tilespmem:s18+$0x1020 ss:$0x81] =	vst.msk $0xffff, v58  }
0x14: {  	s29 =	sand.u32 $0x200, s27;
	s16 =	sand.u32 $0x180, s27;
	s28 =	sadd.s32 s21, s20;
	[tilespmem:s18+$0x1830 ss:$0x81] =	vst.msk $0xffff, v59  }
0x15: {  	s31 =	sand.u32 $0x7, s14;
	s16 =	sor.u32 s30, s16;
	s19 =	sor.u32 s29, s28;
	[tilespmem:s18+$0x2040 ss:$0x81] =	vst.msk $0xffff, v60  }
0x16: {  	s15 =	sadd.s32 s3, s15;
	s16 =	sshrl.u32 s16, $0x3;
	s19 =	sshrl.u32 s19, $0x3;
	[tilespmem:s18+$0x2850 ss:$0x81] =	vst.msk $0xffff, v61  }
0x17: {  	s14 =	sshll.u32 s31, $0x12;
	s15 =	sadd.s32 s16, s15;
	[tilespmem:s18+$0x3060 ss:$0x81] =	vst.msk $0xffff, v62;
	s19 =	sand.u32 $0x7C0, s19  }
0x18: {  	s14 =	sor.u32 $0x80, s14;
	[tilespmem:s18+$0x0 ss:$0x81] =	vst.msk $0xffff, v63;
	s15 =	sadd.s32 s19, s15  }
0x19: {  	[hbm4b:s15+s14] =	stream.strided.scatter [tilespmem:s17], [sflag:$0x2], $0x4000, s9, s14, $0x20;
	[tilespmem:$0x10100] =	vst v63  }
.LBB1_5:
0x1a: {  	s17 =	sadd.s32 $0x1, s10  }
0x1b: {  	s14 =	sadd.s32 $0x200, s11;
	s18 =	smov.u32 s11;
	p2 =	sgt.s32 s17, $0x1F  }
0x1c: {  	s18 =	smov.u32 @p2 s14  }
0x1d: {  	s20 =	smov.u32 s12;
	s14 =	sadd.s32 $0x8, s12;
	p3 =	sgt.s32 s18, $0x1FF  }
0x1e: {  	s20 =	smov.u32 @p3 s14  }
0x1f: {  	s17 =	simm.s32 @p2 $0x0;
	p2 =	sgt.s32 s20, $0x7  }
0x20: {  	p1 =	slt.u32 s13, $0x2;
	s20 =	smov.u32 @p2 s5;
	p2 =	sne.s32 s13, s8  }
.Ltmp1:
0x21: {  	s19 =	simm.s32 @!p1 $0x2;
	(pc) =	sbr.rel @!p2 .LBB1_6-.Ltmp1, $4  }
0x22: {  	s16 =	smov.u32 s10;
	s15 =	smov.u32 s12;
	_ =	swait.ge @!p1 [sflag:s19], $0x4000  }
0x23: {  	p0 =	por !p0, !p0;
	[sflag:s19] =	ssyncset.done @!p1 $0x0;
	s10 =	smov.u32 s17  }
0x24: {  	s18 =	smov.u32 @p3 s2;
	s14 =	smov.u32 s11;
	[sflag:s19] =	ssyncadd.s32 @!p1 $0xFFFFC000  }
0x25: {  	s11 =	smov.u32 s18;
	s13 =	sadd.s32 $0x1, s13;
	s12 =	smov.u32 s20  }
.LBB1_1:
0x26: {  	p1 =	sge.u32 s13, s7;
	s31 =	sadd.s32 $0xFFFFFFFF, s13  }
0x27: {  	s17 =	sxor.u32 @!p1 $0xFFFFFFFF, s13;
	s18 =	sshll.u32 @!p1 s12, $0x12;
	s19 =	sshll.u32 @!p1 s11, $0x9  }
0x28: {  	s20 =	sshll.u32 @!p1 s10, $0x4;
	s17 =	sshll.u32 @!p1 s17, $0xE;
	s18 =	sadd.s32 @!p1 s4, s18  }
0x29: {  	s20 =	sand.u32 @!p1 $0x1F0, s20;
	s17 =	sand.u32 @!p1 $0x4000, s17;
	s18 =	sadd.s32 @!p1 s19, s18  }
0x2a: {  	s19 =	simm.s32 @!p1 $0x80;
	s18 =	sadd.s32 @!p1 s20, s18;
	s20 =	simm.s32 @!p1 $0x1000  }
0x2b: {  	[tilespmem:s17], [sflag:$0x1] =	stream.strided.gather @!p1 [hbm4b:s18+s19], $0x4000, s20, s19, $0x38;
	[tilespmem:$0x10100] =	vst v63  }
0x2c: {  	p1 =	sge.u32 s31, s7  }
.Ltmp2:
0x2d: {  	_ = 	snop;
	(pc) =	sbr.rel @p1 .LBB1_5-.Ltmp2, $1  }
0x2e: {  	_ =	sdelay $0x3  }
0x2f: {  	s17 =	simm.s32 $0x1  }
0x30: {  	_ =	swait.ge [sflag:s6], $0x4000;
	s17 =	simm.s32 @!p0 $0x0  }
0x31: {  	[sflag:s6] =	ssyncset.done $0x0;
	s18 =	sshll.u32 s17, $0xE  }
0x32: {  	[sflag:s6] =	ssyncadd.s32 $0xFFFFC000;
	s19 =	sor.u32 $0x40, s18  }
0x33: {  	s17 =	smul.u32 $0x10200, s17;
	v0 =	vld [tilespmem:s19+$0x30]  }
0x34: {  	v3 =	vld [tilespmem:s19+$0xFFFFFFD0]  }
0x35: {  	s17 =	sshrl.u32 s17, $0x2;
	v4 =	vld [tilespmem:s19+$0xFFFFFFE0]  }
0x36: {  	v5 =	vld [tilespmem:s19+$0xFFFFFFF0];
	s18 =	sor.u32 $0x8000, s17  }
0x37: {  	s31 =	sand.u32 $0x1, s13;
	v1 =	vld [tilespmem:s19+$0x0];
	s20 =	sadd.s32 $0x0, s18  }
0x38: {  	v2 =	vld [tilespmem:s19+$0x10];
	s17 =	smul.u32 $0x10200, s31;
	[tilespmem:s20+$0x3870 ss:$0x81] =	vst.msk $0xffff, v0  }
0x39: {  	[tilespmem:s20+$0x810 ss:$0x81] =	vst.msk $0xffff, v3;
	v3 =	vld [tilespmem:s19+$0x20]  }
0x3a: {  	s17 =	sshrl.u32 s17, $0x2;
	v0 =	vld [tilespmem:s19+$0xFFFFFFC0];
	[tilespmem:s20+$0x1020 ss:$0x81] =	vst.msk $0xffff, v4;
	s19 =	sadd.s32 $0x80, s19  }
0x3b: {  	s21 =	simm.s32 $0x4;
	s22 =	simm.s32 $0x8;
	s17 =	sor.u32 $0x8000, s17;
	[tilespmem:s20+$0x1830 ss:$0x81] =	vst.msk $0xffff, v5;
	v4 =	vld [tilespmem:s19+$0x30]  }
.LBB1_3:
0x3c: {  	p1 =	sne.s32 s22, $0x1FC;
	v5 =	vld [tilespmem:s19+$0xFFFFFFD0];
	[tilespmem:s20+$0x2040 ss:$0x81] =	vst.msk $0xffff, v1  }
0x3d: {  	v6 =	vld [tilespmem:s19+$0xFFFFFFE0];
	[tilespmem:s20+$0x2850 ss:$0x81] =	vst.msk $0xffff, v2  }
0x3e: {  	s23 =	sshra.s32 s21, $0x2;
	s21 =	smov.u32 s22;
	v7 =	vld [tilespmem:s19+$0xFFFFFFF0];
	[tilespmem:s20+$0x3060 ss:$0x81] =	vst.msk $0xffff, v3  }
.Ltmp3:
0x3f: {  	v1 =	vld [tilespmem:s19+$0x0];
	[tilespmem:s20+$0x0 ss:$0x81] =	vst.msk $0xffff, v0;
	s20 =	sadd.s32 s23, s18;
	(pc) =	sbr.rel @p1 .LBB1_3-.Ltmp3, $4  }
0x40: {  	v2 =	vld [tilespmem:s19+$0x10];
	[tilespmem:s20+$0x3870 ss:$0x81] =	vst.msk $0xffff, v4  }
0x41: {  	[tilespmem:s20+$0x810 ss:$0x81] =	vst.msk $0xffff, v5;
	v3 =	vld [tilespmem:s19+$0x20]  }
0x42: {  	v0 =	vld [tilespmem:s19+$0xFFFFFFC0];
	[tilespmem:s20+$0x1020 ss:$0x81] =	vst.msk $0xffff, v6;
	s19 =	sadd.s32 $0x80, s19  }
0x43: {  	s22 =	sadd.s32 $0x4, s22;
	v4 =	vld [tilespmem:s19+$0x30];
	[tilespmem:s20+$0x1830 ss:$0x81] =	vst.msk $0xffff, v7  }
.Ltmp4:
0x44: {  	_ = 	snop;
	(pc) =	sbr.rel .LBB1_4-.Ltmp4, $1  }
0x45: {  	_ =	sdelay $0x3  }
.LBB1_6:
0x46: {  	_ =	sfence.sel $0x180000  }
0x47: {  	s2 =	simm.s32 $0x1;
	[bflag:$0x0] =	sbarrier.arrive $0xFFFF  }
0x48: {  	s31 =	simm.s32 $0x2;
	[sflag:s2] =	ssyncpa.u1 $0x1  }
0x49: {  	[sflag:s31] =	ssyncpa.u1 $0x1  }
0x4a: {  	p0 =	sne.s32 s0, $0x0;
	_ =	strace $0x9000004A  }
0x4b: {  	s0 =	sadd.s32 @!p0 $0x100000, s1;
	[bflag:$0x2] =	sbarrier.arrive $0xFFFF  }
0x4c: {  	[sflag:s0] =	ssyncadd.tile.s32 @!p0 $0x1;
	_ =	shalt  }
.Lfunc_end1:
_tile_overlayer_lowered:
.L_overlay_start_2:
0x4d: {  	(tag) =	ssettag $0x2  }
0x4e: {  	s0 =	rddreg [dreg:$0x0];
	s2 =	stileid.u32  }
0x4f: {  	s1 =	rddreg [dreg:$0x1];
	p0 =	sne.s32 s2, $0x0  }
0x50: {  	s3 =	rddreg [dreg:$0x2];
	[bflag:$0x3] =	sbarrier.arrive $0xFFFF;
	s2 =	simm.s32 @!p0 $0x1C01  }
0x51: {  	[timem:s3], [sflag:s2] =	dma.local @!p0 [hbm:s0], s1  }
0x52: {  	s0 =	simm.s32 @!p0 $0x1  }
0x53: {  	_ =	swait.ge @!p0 [sflag:s0], s1  }
0x54: {  	s1 =	ssub.s32 @!p0 $0x0, s1;
	[sflag:s0] =	ssyncset.done @!p0 $0x0  }
0x55: {  	[sflag:s0] =	ssyncadd.s32 @!p0 s1  }
0x56: {  	[bflag:$0x3] =	sbarrier.arrive $0xFFFF  }
0x57: {  	_ =	shalt  }

</sc_bundles>
